<compile_context>
chip_gen: v7x
topology: tpu7x:2x2x1
jax: 0.10.2.dev20260603
libtpu: 0.0.44.dev20260713+nightly
codegen_flags: <defaults>
</compile_context>

<pallas_src>
import jax
import jax.numpy as jnp
from jax.experimental import pallas as pl
from jax.experimental.pallas import tpu as pltpu
from jax.experimental.pallas import tpu_sc as plsc

N = 2048
C = 128
OUT = 128
B = 8
R = 128
NBLK = N // R

_F32 = jnp.float32
_BF16 = jnp.bfloat16


def _tc_body(x0, x1, x2, seg, w00, w10, w01, w11, w21, w12, w22,
             lw0, lw1, lw2,
             aup0, inc1, inc1t, adn1, aup1, inc2, inc2t, adn2,
             out,
             t00, t10, t01, t11, t21, t12, t22, acc0, acc1, acc2):
    i = pl.program_id(0)

    @pl.when(i == 0)
    def _init():
        x0b = x0[...].astype(_BF16)
        x1b = x1[...].astype(_BF16)
        x2b = x2[...].astype(_BF16)
        t00[...] = jnp.dot(x0b, w00[...].astype(_BF16),
                           preferred_element_type=_F32).astype(_BF16)
        t10[...] = jnp.dot(x1b, w10[...].astype(_BF16),
                           preferred_element_type=_F32).astype(_BF16)
        t01[...] = jnp.dot(x0b, w01[...].astype(_BF16),
                           preferred_element_type=_F32).astype(_BF16)
        t11[...] = jnp.dot(x1b, w11[...].astype(_BF16),
                           preferred_element_type=_F32).astype(_BF16)
        t21[...] = jnp.dot(x2b, w21[...].astype(_BF16),
                           preferred_element_type=_F32).astype(_BF16)
        t12[...] = jnp.dot(x1b, w12[...].astype(_BF16),
                           preferred_element_type=_F32).astype(_BF16)
        t22[...] = jnp.dot(x2b, w22[...].astype(_BF16),
                           preferred_element_type=_F32).astype(_BF16)
        acc0[...] = jnp.zeros((B, C), _F32)
        acc1[...] = jnp.zeros((B, C), _F32)
        acc2[...] = jnp.zeros((B, C), _F32)

    y0 = jax.nn.sigmoid(
        jnp.dot(aup0[...].astype(_BF16), t00[...], preferred_element_type=_F32)
        + jnp.dot(inc1[...].astype(_BF16), t10[...], preferred_element_type=_F32))
    y1 = jax.nn.sigmoid(
        jnp.dot(inc1t[...].astype(_BF16), t01[...], preferred_element_type=_F32)
        + jnp.dot((adn1[...] + aup1[...]).astype(_BF16), t11[...],
                  preferred_element_type=_F32)
        + jnp.dot(inc2[...].astype(_BF16), t21[...], preferred_element_type=_F32))
    y2 = jax.nn.sigmoid(
        jnp.dot(inc2t[...].astype(_BF16), t12[...], preferred_element_type=_F32)
        + jnp.dot(adn2[...].astype(_BF16), t22[...], preferred_element_type=_F32))

    iota = jax.lax.broadcasted_iota(jnp.int32, (B, R), 0)
    oh0 = (iota == seg[0:1, pl.ds(i * R, R)]).astype(_F32)
    oh1 = (iota == seg[1:2, pl.ds(i * R, R)]).astype(_F32)
    oh2 = (iota == seg[2:3, pl.ds(i * R, R)]).astype(_F32)
    acc0[...] += jnp.dot(oh0, y0, preferred_element_type=_F32)
    acc1[...] += jnp.dot(oh1, y1, preferred_element_type=_F32)
    acc2[...] += jnp.dot(oh2, y2, preferred_element_type=_F32)

    @pl.when(i == NBLK - 1)
    def _finalize():
        out[0:B, :] = jnp.dot(acc0[...], lw0[...], preferred_element_type=_F32)
        out[B:2 * B, :] = jnp.dot(acc1[...], lw1[...],
                                  preferred_element_type=_F32)
        out[2 * B:3 * B, :] = jnp.dot(acc2[...], lw2[...],
                                      preferred_element_type=_F32)


def _full(shape):
    return pl.BlockSpec(shape, lambda i: (0,) * len(shape))


def _tc_call(x_0, x_1, x_2, seg8, W_0_0, W_1_0, W_0_1, W_1_1, W_2_1, W_1_2,
             W_2_2, lw0, lw1, lw2, aup0, inc1, inc1t, adn1, aup1, inc2,
             inc2t, adn2):
    row_spec = pl.BlockSpec((R, N), lambda i: (i, 0))
    grid_spec = pltpu.PrefetchScalarGridSpec(
        num_scalar_prefetch=0,
        grid=(NBLK,),
        in_specs=[
            _full((N, C)), _full((N, C)), _full((N, C)),
            _full((B, N)),
            _full((C, C)), _full((C, C)), _full((C, C)),
            _full((C, C)), _full((C, C)), _full((C, C)),
            _full((C, C)),
            _full((C, OUT)), _full((C, OUT)), _full((C, OUT)),
            row_spec, row_spec, row_spec, row_spec,
            row_spec, row_spec, row_spec, row_spec,
        ],
        out_specs=_full((3 * B, OUT)),
        scratch_shapes=[pltpu.VMEM((N, C), _BF16)] * 7
        + [pltpu.VMEM((B, C), _F32)] * 3,
    )
    return pl.pallas_call(
        _tc_body,
        grid_spec=grid_spec,
        out_shape=jax.ShapeDtypeStruct((3 * B, OUT), _F32),
        compiler_params=pltpu.CompilerParams(
            dimension_semantics=("arbitrary",),
        ),
    )(x_0, x_1, x_2, seg8,
      W_0_0, W_1_0, W_0_1, W_1_1, W_2_1, W_1_2, W_2_2,
      lw0, lw1, lw2,
      aup0, inc1, inc1t, adn1, aup1, inc2, inc2t, adn2)


def _sc_counts(signal_belongings):
    mesh = plsc.ScalarSubcoreMesh(axis_name="core", num_cores=2)

    H = N // 2

    @pl.kernel(
        out_type=tuple(jax.ShapeDtypeStruct((16,), _F32) for _ in range(6)),
        mesh=mesh,
        scratch_types=[
            pltpu.SMEM((H,), jnp.int32),
            pltpu.SMEM((16,), _F32),
            pltpu.SemaphoreType.DMA,
        ],
    )
    def counts_kernel(seg_ref, o0a, o1a, o2a, o0b, o1b, o2b, row_buf, cnt,
                      sem):
        core = jax.lax.axis_index("core")

        def do_half(k, half, o_ref):
            pltpu.async_copy(seg_ref.at[pl.ds(k * N + half * H, H)],
                             row_buf, sem).wait()

            @pl.loop(0, 16)
            def _z(j):
                cnt[j] = 0.0

            @pl.loop(0, H, step=8)
            def _c(i):
                for d in range(8):
                    v = row_buf[i + d]
                    cnt[v] += 1.0

            pltpu.async_copy(cnt, o_ref, sem).wait()

        @pl.when(core == 0)
        def _core0():
            do_half(0, 0, o0a)
            do_half(1, 0, o1a)
            do_half(2, 0, o2a)

        @pl.when(core == 1)
        def _core1():
            do_half(0, 1, o0b)
            do_half(1, 1, o1b)
            do_half(2, 1, o2b)

    return counts_kernel(signal_belongings.reshape(-1))


def kernel(x_0, x_1, x_2, incidence_1, incidence_2, incidence_1_transpose,
           incidence_2_transpose, adjacency_up_0_norm, adjacency_up_1_norm,
           adjacency_down_1_norm, adjacency_down_2_norm, signal_belongings,
           W_0_0, W_1_0, W_0_1, W_1_1, W_2_1, W_1_2, W_2_2,
           lw0, lb0, lw1, lb1, lw2, lb2):
    seg8 = jnp.pad(signal_belongings, ((0, B - 3), (0, 0)))

    cnts = _sc_counts(signal_belongings)
    h = _tc_call(x_0, x_1, x_2, seg8,
                 W_0_0, W_1_0, W_0_1, W_1_1, W_2_1, W_1_2, W_2_2,
                 lw0, lw1, lw2,
                 adjacency_up_0_norm, incidence_1, incidence_1_transpose,
                 adjacency_down_1_norm, adjacency_up_1_norm, incidence_2,
                 incidence_2_transpose, adjacency_down_2_norm)

    c0, c1, c2 = (jnp.maximum(cnts[k][:B] + cnts[k + 3][:B], 1.0)
                  for k in range(3))
    m0 = h[0:B, :] / c0[:, None]
    m1 = h[B:2 * B, :] / c1[:, None]
    m2 = h[2 * B:3 * B, :] / c2[:, None]
    return (m0 + m1 + m2 + (lb0 + lb1 + lb2)[None, :]) / 3.0

# --- scband reference (transcript-rebuilt; emitter-appended) ---
"""Pipeline reference for scband-scconv-network-33492154974470 (READ-ONLY COPY).

The authoritative reference and input builder live on the scoring server;
editing this copy changes nothing except your own understanding.
"""

import jax, jax.numpy as jnp
import numpy as np

N = 2048
C = 128
OUT = 128
B = 8

MAT_NAMES = ["incidence_1", "incidence_2", "incidence_1_transpose", "incidence_2_transpose",
             "adjacency_up_0_norm", "adjacency_up_1_norm", "adjacency_down_1_norm", "adjacency_down_2_norm"]
W_NAMES = ["W_0_0", "W_1_0", "W_0_1", "W_1_1", "W_2_1", "W_1_2", "W_2_2"]


def setup_inputs(seed: int = 0) -> dict:
    key = jax.random.key(seed)
    ks = jax.random.split(key, 32)
    inp = {}
    inp["x_0"] = jax.random.normal(ks[0], (N, C), dtype=jnp.float32)
    inp["x_1"] = jax.random.normal(ks[1], (N, C), dtype=jnp.float32)
    inp["x_2"] = jax.random.normal(ks[2], (N, C), dtype=jnp.float32)
    for i, m in enumerate(MAT_NAMES):
        # dense neighborhood operators, scaled ~1/N like row-normalized adjacencies
        inp[m] = jax.random.uniform(ks[3 + i], (N, N), dtype=jnp.float32) * (2.0 / N)
    inp["signal_belongings"] = jax.random.randint(ks[11], (3, N), 0, B, dtype=jnp.int32)
    for i, w in enumerate(W_NAMES):
        inp[w] = jax.random.normal(ks[12 + i], (C, C), dtype=jnp.float32) * (1.0 / np.sqrt(C))
    inp["lw0"] = jax.random.normal(ks[20], (C, OUT), dtype=jnp.float32) * (1.0 / np.sqrt(C))
    inp["lb0"] = jnp.zeros((OUT,), dtype=jnp.float32)
    inp["lw1"] = jax.random.normal(ks[21], (C, OUT), dtype=jnp.float32) * (1.0 / np.sqrt(C))
    inp["lb1"] = jnp.zeros((OUT,), dtype=jnp.float32)
    inp["lw2"] = jax.random.normal(ks[22], (C, OUT), dtype=jnp.float32) * (1.0 / np.sqrt(C))
    inp["lb2"] = jnp.zeros((OUT,), dtype=jnp.float32)
    return inp


def _global_mean_pool(x, seg):
    s = jax.ops.segment_sum(x, seg, num_segments=B)
    c = jax.ops.segment_sum(jnp.ones((x.shape[0], 1), x.dtype), seg, num_segments=B)
    return s / jnp.maximum(c, 1.0)


def reference(x_0, x_1, x_2, incidence_1, incidence_2, incidence_1_transpose,
              incidence_2_transpose, adjacency_up_0_norm, adjacency_up_1_norm,
              adjacency_down_1_norm, adjacency_down_2_norm, signal_belongings,
              W_0_0, W_1_0, W_0_1, W_1_1, W_2_1, W_1_2, W_2_2,
              lw0, lb0, lw1, lb1, lw2, lb2):
    # SCConvLayer (n_layers=1): Conv(x, A) = A @ (x @ W); Aggregation = sigmoid(sum(list))
    x0_00 = adjacency_up_0_norm @ (x_0 @ W_0_0)
    x0_10 = incidence_1 @ (x_1 @ W_1_0)
    x0_01 = incidence_1_transpose @ (x_0 @ W_0_1)
    adj_norm = adjacency_down_1_norm + adjacency_up_1_norm
    x1_11 = adj_norm @ (x_1 @ W_1_1)
    x2_21 = incidence_2 @ (x_2 @ W_2_1)
    x1_12 = incidence_2_transpose @ (x_1 @ W_1_2)
    x2_22 = adjacency_down_2_norm @ (x_2 @ W_2_2)
    x0 = jax.nn.sigmoid(x0_00 + x0_10)
    x1 = jax.nn.sigmoid(x0_01 + x1_11 + x2_21)
    x2 = jax.nn.sigmoid(x1_12 + x2_22)
    # output heads
    x0 = x0 @ lw0 + lb0
    x1 = x1 @ lw1 + lb1
    x2 = x2 @ lw2 + lb2
    m0 = _global_mean_pool(x0, signal_belongings[0])
    m1 = _global_mean_pool(x1, signal_belongings[1])
    m2 = _global_mean_pool(x2, signal_belongings[2])
    return (m0 + m1 + m2) / 3.0

if __name__ == "__main__":
    import jax
    _d = setup_inputs()
    print(jax.jit(kernel)(*tuple(_d.values())))

</pallas_src>

<mosaic_0001>
#map = affine_map<(d0) -> (0)>
module attributes {stable_mosaic.version = 14 : i64} {
  func.func @counts_kernel(%arg0: i32, %arg1: memref<6144xi32, #tpu.memory_space<hbm>>, %arg2: memref<16xf32, #tpu.memory_space<hbm>>, %arg3: memref<16xf32, #tpu.memory_space<hbm>>, %arg4: memref<16xf32, #tpu.memory_space<hbm>>, %arg5: memref<16xf32, #tpu.memory_space<hbm>>, %arg6: memref<16xf32, #tpu.memory_space<hbm>>, %arg7: memref<16xf32, #tpu.memory_space<hbm>>, %arg8: memref<1024xi32, #tpu.memory_space<smem>>, %arg9: memref<16xf32, #tpu.memory_space<smem>>, %arg10: memref<!tpu.dma_semaphore, #tpu.memory_space<semaphore_mem>>) attributes {dimension_semantics = [#tpu.dimension_semantics<core_parallel>], iteration_bounds = array<i64: 2>, scalar_prefetch = 0 : i64, scratch_operands = 3 : i64, tpu.core_type = #tpu.core_type<sc_scalar_subcore>, window_params = [{transform_indices = #map}, {transform_indices = #map}, {transform_indices = #map}, {transform_indices = #map}, {transform_indices = #map}, {transform_indices = #map}, {transform_indices = #map}]} {
    %eq3A = arith.constant 0 : i32
    %eq3A_0 = arith.cmpi eq, %arg0, %eq3A : i32
    %convert_element_type3A = arith.extui %eq3A_0 : i1 to i32
    %cond3A = arith.constant 0 : i32
    %cond3A_1 = arith.cmpi ne, %convert_element_type3A, %cond3A : i32
    scf.if %cond3A_1 {
      %dma_start3A = arith.constant 0 : i32
      %dma_start3A_7 = tpu.memref_slice %arg1[%dma_start3A] : memref<6144xi32, #tpu.memory_space<hbm>> -> memref<1024xi32, #tpu.memory_space<hbm>>
      tpu.enqueue_dma source(%dma_start3A_7 : memref<1024xi32, #tpu.memory_space<hbm>>) target(%arg8 : memref<1024xi32, #tpu.memory_space<smem>>) target_semaphore(%arg10 : memref<!tpu.dma_semaphore, #tpu.memory_space<semaphore_mem>>)
      %dma_wait3A = arith.constant 0 : i32
      %dma_wait3A_8 = tpu.memref_slice %arg1[%dma_wait3A] : memref<6144xi32, #tpu.memory_space<hbm>> -> memref<1024xi32, #tpu.memory_space<hbm>>
      tpu.wait_dma2 semaphore(%arg10 : memref<!tpu.dma_semaphore, #tpu.memory_space<semaphore_mem>>) src(%dma_wait3A_8 : memref<1024xi32, #tpu.memory_space<hbm>>) dst(%arg8 : memref<1024xi32, #tpu.memory_space<smem>>)
      %scan3A = arith.constant 0 : i32
      %scan3A_9 = arith.constant 16 : i32
      %scan3A_10 = arith.addi %scan3A, %scan3A_9 : i32
      %scan3A_11 = arith.constant 1 : i32
      scf.for %scan3A_46 = %scan3A to %scan3A_10 step %scan3A_11  : i32 {
        %mul3A = arith.constant 1 : i32
        %mul3A_47 = arith.muli %scan3A_46, %mul3A : i32
        %add3A = arith.constant 0 : i32
        %add3A_48 = arith.addi %add3A, %mul3A_47 : i32
        %swap3A = arith.constant 0.000000e+00 : f32
        %swap3A_49 = arith.index_cast %add3A_48 : i32 to index
        %swap3A_50 = memref.load %arg9[%swap3A_49] : memref<16xf32, #tpu.memory_space<smem>>
        memref.store %swap3A, %arg9[%swap3A_49] : memref<16xf32, #tpu.memory_space<smem>>
      }
      %scan3A_12 = arith.constant 16 : i32
      %scan3A_13 = arith.constant 0 : i32
      %scan3A_14 = arith.constant 128 : i32
      %scan3A_15 = arith.addi %scan3A_13, %scan3A_14 : i32
      %scan3A_16 = arith.constant 1 : i32
      scf.for %scan3A_46 = %scan3A_13 to %scan3A_15 step %scan3A_16  : i32 {
        %mul3A = arith.constant 8 : i32
        %mul3A_47 = arith.muli %scan3A_46, %mul3A : i32
        %add3A = arith.constant 0 : i32
        %add3A_48 = arith.addi %add3A, %mul3A_47 : i32
        %add3A_49 = arith.constant 0 : i32
        %add3A_50 = arith.addi %add3A_48, %add3A_49 : i32
        %get3A = arith.index_cast %add3A_50 : i32 to index
        %get3A_51 = memref.load %arg8[%get3A] : memref<1024xi32, #tpu.memory_space<smem>>
        %get3A_52 = arith.index_cast %get3A_51 : i32 to index
        %get3A_53 = memref.load %arg9[%get3A_52] : memref<16xf32, #tpu.memory_space<smem>>
        %add3A_54 = arith.constant 1.000000e+00 : f32
        %add3A_55 = arith.addf %get3A_53, %add3A_54 : f32
        %swap3A = arith.index_cast %get3A_51 : i32 to index
        %swap3A_56 = memref.load %arg9[%swap3A] : memref<16xf32, #tpu.memory_space<smem>>
        memref.store %add3A_55, %arg9[%swap3A] : memref<16xf32, #tpu.memory_space<smem>>
        %add3A_57 = arith.constant 1 : i32
        %add3A_58 = arith.addi %add3A_48, %add3A_57 : i32
        %get3A_59 = arith.index_cast %add3A_58 : i32 to index
        %get3A_60 = memref.load %arg8[%get3A_59] : memref<1024xi32, #tpu.memory_space<smem>>
        %get3A_61 = arith.index_cast %get3A_60 : i32 to index
        %get3A_62 = memref.load %arg9[%get3A_61] : memref<16xf32, #tpu.memory_space<smem>>
        %add3A_63 = arith.constant 1.000000e+00 : f32
        %add3A_64 = arith.addf %get3A_62, %add3A_63 : f32
        %swap3A_65 = arith.index_cast %get3A_60 : i32 to index
        %swap3A_66 = memref.load %arg9[%swap3A_65] : memref<16xf32, #tpu.memory_space<smem>>
        memref.store %add3A_64, %arg9[%swap3A_65] : memref<16xf32, #tpu.memory_space<smem>>
        %add3A_67 = arith.constant 2 : i32
        %add3A_68 = arith.addi %add3A_48, %add3A_67 : i32
        %get3A_69 = arith.index_cast %add3A_68 : i32 to index
        %get3A_70 = memref.load %arg8[%get3A_69] : memref<1024xi32, #tpu.memory_space<smem>>
        %get3A_71 = arith.index_cast %get3A_70 : i32 to index
        %get3A_72 = memref.load %arg9[%get3A_71] : memref<16xf32, #tpu.memory_space<smem>>
        %add3A_73 = arith.constant 1.000000e+00 : f32
        %add3A_74 = arith.addf %get3A_72, %add3A_73 : f32
        %swap3A_75 = arith.index_cast %get3A_70 : i32 to index
        %swap3A_76 = memref.load %arg9[%swap3A_75] : memref<16xf32, #tpu.memory_space<smem>>
        memref.store %add3A_74, %arg9[%swap3A_75] : memref<16xf32, #tpu.memory_space<smem>>
        %add3A_77 = arith.constant 3 : i32
        %add3A_78 = arith.addi %add3A_48, %add3A_77 : i32
        %get3A_79 = arith.index_cast %add3A_78 : i32 to index
        %get3A_80 = memref.load %arg8[%get3A_79] : memref<1024xi32, #tpu.memory_space<smem>>
        %get3A_81 = arith.index_cast %get3A_80 : i32 to index
        %get3A_82 = memref.load %arg9[%get3A_81] : memref<16xf32, #tpu.memory_space<smem>>
        %add3A_83 = arith.constant 1.000000e+00 : f32
        %add3A_84 = arith.addf %get3A_82, %add3A_83 : f32
        %swap3A_85 = arith.index_cast %get3A_80 : i32 to index
        %swap3A_86 = memref.load %arg9[%swap3A_85] : memref<16xf32, #tpu.memory_space<smem>>
        memref.store %add3A_84, %arg9[%swap3A_85] : memref<16xf32, #tpu.memory_space<smem>>
        %add3A_87 = arith.constant 4 : i32
        %add3A_88 = arith.addi %add3A_48, %add3A_87 : i32
        %get3A_89 = arith.index_cast %add3A_88 : i32 to index
        %get3A_90 = memref.load %arg8[%get3A_89] : memref<1024xi32, #tpu.memory_space<smem>>
        %get3A_91 = arith.index_cast %get3A_90 : i32 to index
        %get3A_92 = memref.load %arg9[%get3A_91] : memref<16xf32, #tpu.memory_space<smem>>
        %add3A_93 = arith.constant 1.000000e+00 : f32
        %add3A_94 = arith.addf %get3A_92, %add3A_93 : f32
        %swap3A_95 = arith.index_cast %get3A_90 : i32 to index
        %swap3A_96 = memref.load %arg9[%swap3A_95] : memref<16xf32, #tpu.memory_space<smem>>
        memref.store %add3A_94, %arg9[%swap3A_95] : memref<16xf32, #tpu.memory_space<smem>>
        %add3A_97 = arith.constant 5 : i32
        %add3A_98 = arith.addi %add3A_48, %add3A_97 : i32
        %get3A_99 = arith.index_cast %add3A_98 : i32 to index
        %get3A_100 = memref.load %arg8[%get3A_99] : memref<1024xi32, #tpu.memory_space<smem>>
        %get3A_101 = arith.index_cast %get3A_100 : i32 to index
        %get3A_102 = memref.load %arg9[%get3A_101] : memref<16xf32, #tpu.memory_space<smem>>
        %add3A_103 = arith.constant 1.000000e+00 : f32
        %add3A_104 = arith.addf %get3A_102, %add3A_103 : f32
        %swap3A_105 = arith.index_cast %get3A_100 : i32 to index
        %swap3A_106 = memref.load %arg9[%swap3A_105] : memref<16xf32, #tpu.memory_space<smem>>
        memref.store %add3A_104, %arg9[%swap3A_105] : memref<16xf32, #tpu.memory_space<smem>>
        %add3A_107 = arith.constant 6 : i32
        %add3A_108 = arith.addi %add3A_48, %add3A_107 : i32
        %get3A_109 = arith.index_cast %add3A_108 : i32 to index
        %get3A_110 = memref.load %arg8[%get3A_109] : memref<1024xi32, #tpu.memory_space<smem>>
        %get3A_111 = arith.index_cast %get3A_110 : i32 to index
        %get3A_112 = memref.load %arg9[%get3A_111] : memref<16xf32, #tpu.memory_space<smem>>
        %add3A_113 = arith.constant 1.000000e+00 : f32
        %add3A_114 = arith.addf %get3A_112, %add3A_113 : f32
        %swap3A_115 = arith.index_cast %get3A_110 : i32 to index
        %swap3A_116 = memref.load %arg9[%swap3A_115] : memref<16xf32, #tpu.memory_space<smem>>
        memref.store %add3A_114, %arg9[%swap3A_115] : memref<16xf32, #tpu.memory_space<smem>>
        %add3A_117 = arith.constant 7 : i32
        %add3A_118 = arith.addi %add3A_48, %add3A_117 : i32
        %get3A_119 = arith.index_cast %add3A_118 : i32 to index
        %get3A_120 = memref.load %arg8[%get3A_119] : memref<1024xi32, #tpu.memory_space<smem>>
        %get3A_121 = arith.index_cast %get3A_120 : i32 to index
        %get3A_122 = memref.load %arg9[%get3A_121] : memref<16xf32, #tpu.memory_space<smem>>
        %add3A_123 = arith.constant 1.000000e+00 : f32
        %add3A_124 = arith.addf %get3A_122, %add3A_123 : f32
        %swap3A_125 = arith.index_cast %get3A_120 : i32 to index
        %swap3A_126 = memref.load %arg9[%swap3A_125] : memref<16xf32, #tpu.memory_space<smem>>
        memref.store %add3A_124, %arg9[%swap3A_125] : memref<16xf32, #tpu.memory_space<smem>>
      }
      %scan3A_17 = arith.constant 128 : i32
      tpu.enqueue_dma source(%arg9 : memref<16xf32, #tpu.memory_space<smem>>) target(%arg2 : memref<16xf32, #tpu.memory_space<hbm>>) target_semaphore(%arg10 : memref<!tpu.dma_semaphore, #tpu.memory_space<semaphore_mem>>)
      tpu.wait_dma2 semaphore(%arg10 : memref<!tpu.dma_semaphore, #tpu.memory_space<semaphore_mem>>) src(%arg9 : memref<16xf32, #tpu.memory_space<smem>>) dst(%arg2 : memref<16xf32, #tpu.memory_space<hbm>>)
      %dma_start3A_18 = arith.constant 2048 : i32
      %dma_start3A_19 = tpu.memref_slice %arg1[%dma_start3A_18] : memref<6144xi32, #tpu.memory_space<hbm>> -> memref<1024xi32, #tpu.memory_space<hbm>>
      tpu.enqueue_dma source(%dma_start3A_19 : memref<1024xi32, #tpu.memory_space<hbm>>) target(%arg8 : memref<1024xi32, #tpu.memory_space<smem>>) target_semaphore(%arg10 : memref<!tpu.dma_semaphore, #tpu.memory_space<semaphore_mem>>)
      %dma_wait3A_20 = arith.constant 2048 : i32
      %dma_wait3A_21 = tpu.memref_slice %arg1[%dma_wait3A_20] : memref<6144xi32, #tpu.memory_space<hbm>> -> memref<1024xi32, #tpu.memory_space<hbm>>
      tpu.wait_dma2 semaphore(%arg10 : memref<!tpu.dma_semaphore, #tpu.memory_space<semaphore_mem>>) src(%dma_wait3A_21 : memref<1024xi32, #tpu.memory_space<hbm>>) dst(%arg8 : memref<1024xi32, #tpu.memory_space<smem>>)
      %scan3A_22 = arith.constant 0 : i32
      %scan3A_23 = arith.constant 16 : i32
      %scan3A_24 = arith.addi %scan3A_22, %scan3A_23 : i32
      %scan3A_25 = arith.constant 1 : i32
      scf.for %scan3A_46 = %scan3A_22 to %scan3A_24 step %scan3A_25  : i32 {
        %mul3A = arith.constant 1 : i32
        %mul3A_47 = arith.muli %scan3A_46, %mul3A : i32
        %add3A = arith.constant 0 : i32
        %add3A_48 = arith.addi %add3A, %mul3A_47 : i32
        %swap3A = arith.constant 0.000000e+00 : f32
        %swap3A_49 = arith.index_cast %add3A_48 : i32 to index
        %swap3A_50 = memref.load %arg9[%swap3A_49] : memref<16xf32, #tpu.memory_space<smem>>
        memref.store %swap3A, %arg9[%swap3A_49] : memref<16xf32, #tpu.memory_space<smem>>
      }
      %scan3A_26 = arith.constant 16 : i32
      %scan3A_27 = arith.constant 0 : i32
      %scan3A_28 = arith.constant 128 : i32
      %scan3A_29 = arith.addi %scan3A_27, %scan3A_28 : i32
      %scan3A_30 = arith.constant 1 : i32
      scf.for %scan3A_46 = %scan3A_27 to %scan3A_29 step %scan3A_30  : i32 {
        %mul3A = arith.constant 8 : i32
        %mul3A_47 = arith.muli %scan3A_46, %mul3A : i32
        %add3A = arith.constant 0 : i32
        %add3A_48 = arith.addi %add3A, %mul3A_47 : i32
        %add3A_49 = arith.constant 0 : i32
        %add3A_50 = arith.addi %add3A_48, %add3A_49 : i32
        %get3A = arith.index_cast %add3A_50 : i32 to index
        %get3A_51 = memref.load %arg8[%get3A] : memref<1024xi32, #tpu.memory_space<smem>>
        %get3A_52 = arith.index_cast %get3A_51 : i32 to index
        %get3A_53 = memref.load %arg9[%get3A_52] : memref<16xf32, #tpu.memory_space<smem>>
        %add3A_54 = arith.constant 1.000000e+00 : f32
        %add3A_55 = arith.addf %get3A_53, %add3A_54 : f32
        %swap3A = arith.index_cast %get3A_51 : i32 to index
        %swap3A_56 = memref.load %arg9[%swap3A] : memref<16xf32, #tpu.memory_space<smem>>
        memref.store %add3A_55, %arg9[%swap3A] : memref<16xf32, #tpu.memory_space<smem>>
        %add3A_57 = arith.constant 1 : i32
        %add3A_58 = arith.addi %add3A_48, %add3A_57 : i32
        %get3A_59 = arith.index_cast %add3A_58 : i32 to index
        %get3A_60 = memref.load %arg8[%get3A_59] : memref<1024xi32, #tpu.memory_space<smem>>
        %get3A_61 = arith.index_cast %get3A_60 : i32 to index
        %get3A_62 = memref.load %arg9[%get3A_61] : memref<16xf32, #tpu.memory_space<smem>>
        %add3A_63 = arith.constant 1.000000e+00 : f32
        %add3A_64 = arith.addf %get3A_62, %add3A_63 : f32
        %swap3A_65 = arith.index_cast %get3A_60 : i32 to index
        %swap3A_66 = memref.load %arg9[%swap3A_65] : memref<16xf32, #tpu.memory_space<smem>>
        memref.store %add3A_64, %arg9[%swap3A_65] : memref<16xf32, #tpu.memory_space<smem>>
        %add3A_67 = arith.constant 2 : i32
        %add3A_68 = arith.addi %add3A_48, %add3A_67 : i32
        %get3A_69 = arith.index_cast %add3A_68 : i32 to index
        %get3A_70 = memref.load %arg8[%get3A_69] : memref<1024xi32, #tpu.memory_space<smem>>
        %get3A_71 = arith.index_cast %get3A_70 : i32 to index
        %get3A_72 = memref.load %arg9[%get3A_71] : memref<16xf32, #tpu.memory_space<smem>>
        %add3A_73 = arith.constant 1.000000e+00 : f32
        %add3A_74 = arith.addf %get3A_72, %add3A_73 : f32
        %swap3A_75 = arith.index_cast %get3A_70 : i32 to index
        %swap3A_76 = memref.load %arg9[%swap3A_75] : memref<16xf32, #tpu.memory_space<smem>>
        memref.store %add3A_74, %arg9[%swap3A_75] : memref<16xf32, #tpu.memory_space<smem>>
        %add3A_77 = arith.constant 3 : i32
        %add3A_78 = arith.addi %add3A_48, %add3A_77 : i32
        %get3A_79 = arith.index_cast %add3A_78 : i32 to index
        %get3A_80 = memref.load %arg8[%get3A_79] : memref<1024xi32, #tpu.memory_space<smem>>
        %get3A_81 = arith.index_cast %get3A_80 : i32 to index
        %get3A_82 = memref.load %arg9[%get3A_81] : memref<16xf32, #tpu.memory_space<smem>>
        %add3A_83 = arith.constant 1.000000e+00 : f32
        %add3A_84 = arith.addf %get3A_82, %add3A_83 : f32
        %swap3A_85 = arith.index_cast %get3A_80 : i32 to index
        %swap3A_86 = memref.load %arg9[%swap3A_85] : memref<16xf32, #tpu.memory_space<smem>>
        memref.store %add3A_84, %arg9[%swap3A_85] : memref<16xf32, #tpu.memory_space<smem>>
        %add3A_87 = arith.constant 4 : i32
        %add3A_88 = arith.addi %add3A_48, %add3A_87 : i32
        %get3A_89 = arith.index_cast %add3A_88 : i32 to index
        %get3A_90 = memref.load %arg8[%get3A_89] : memref<1024xi32, #tpu.memory_space<smem>>
        %get3A_91 = arith.index_cast %get3A_90 : i32 to index
        %get3A_92 = memref.load %arg9[%get3A_91] : memref<16xf32, #tpu.memory_space<smem>>
        %add3A_93 = arith.constant 1.000000e+00 : f32
        %add3A_94 = arith.addf %get3A_92, %add3A_93 : f32
        %swap3A_95 = arith.index_cast %get3A_90 : i32 to index
        %swap3A_96 = memref.load %arg9[%swap3A_95] : memref<16xf32, #tpu.memory_space<smem>>
        memref.store %add3A_94, %arg9[%swap3A_95] : memref<16xf32, #tpu.memory_space<smem>>
        %add3A_97 = arith.constant 5 : i32
        %add3A_98 = arith.addi %add3A_48, %add3A_97 : i32
        %get3A_99 = arith.index_cast %add3A_98 : i32 to index
        %get3A_100 = memref.load %arg8[%get3A_99] : memref<1024xi32, #tpu.memory_space<smem>>
        %get3A_101 = arith.index_cast %get3A_100 : i32 to index
        %get3A_102 = memref.load %arg9[%get3A_101] : memref<16xf32, #tpu.memory_space<smem>>
        %add3A_103 = arith.constant 1.000000e+00 : f32
        %add3A_104 = arith.addf %get3A_102, %add3A_103 : f32
        %swap3A_105 = arith.index_cast %get3A_100 : i32 to index
        %swap3A_106 = memref.load %arg9[%swap3A_105] : memref<16xf32, #tpu.memory_space<smem>>
        memref.store %add3A_104, %arg9[%swap3A_105] : memref<16xf32, #tpu.memory_space<smem>>
        %add3A_107 = arith.constant 6 : i32
        %add3A_108 = arith.addi %add3A_48, %add3A_107 : i32
        %get3A_109 = arith.index_cast %add3A_108 : i32 to index
        %get3A_110 = memref.load %arg8[%get3A_109] : memref<1024xi32, #tpu.memory_space<smem>>
        %get3A_111 = arith.index_cast %get3A_110 : i32 to index
        %get3A_112 = memref.load %arg9[%get3A_111] : memref<16xf32, #tpu.memory_space<smem>>
        %add3A_113 = arith.constant 1.000000e+00 : f32
        %add3A_114 = arith.addf %get3A_112, %add3A_113 : f32
        %swap3A_115 = arith.index_cast %get3A_110 : i32 to index
        %swap3A_116 = memref.load %arg9[%swap3A_115] : memref<16xf32, #tpu.memory_space<smem>>
        memref.store %add3A_114, %arg9[%swap3A_115] : memref<16xf32, #tpu.memory_space<smem>>
        %add3A_117 = arith.constant 7 : i32
        %add3A_118 = arith.addi %add3A_48, %add3A_117 : i32
        %get3A_119 = arith.index_cast %add3A_118 : i32 to index
        %get3A_120 = memref.load %arg8[%get3A_119] : memref<1024xi32, #tpu.memory_space<smem>>
        %get3A_121 = arith.index_cast %get3A_120 : i32 to index
        %get3A_122 = memref.load %arg9[%get3A_121] : memref<16xf32, #tpu.memory_space<smem>>
        %add3A_123 = arith.constant 1.000000e+00 : f32
        %add3A_124 = arith.addf %get3A_122, %add3A_123 : f32
        %swap3A_125 = arith.index_cast %get3A_120 : i32 to index
        %swap3A_126 = memref.load %arg9[%swap3A_125] : memref<16xf32, #tpu.memory_space<smem>>
        memref.store %add3A_124, %arg9[%swap3A_125] : memref<16xf32, #tpu.memory_space<smem>>
      }
      %scan3A_31 = arith.constant 128 : i32
      tpu.enqueue_dma source(%arg9 : memref<16xf32, #tpu.memory_space<smem>>) target(%arg3 : memref<16xf32, #tpu.memory_space<hbm>>) target_semaphore(%arg10 : memref<!tpu.dma_semaphore, #tpu.memory_space<semaphore_mem>>)
      tpu.wait_dma2 semaphore(%arg10 : memref<!tpu.dma_semaphore, #tpu.memory_space<semaphore_mem>>) src(%arg9 : memref<16xf32, #tpu.memory_space<smem>>) dst(%arg3 : memref<16xf32, #tpu.memory_space<hbm>>)
      %dma_start3A_32 = arith.constant 4096 : i32
      %dma_start3A_33 = tpu.memref_slice %arg1[%dma_start3A_32] : memref<6144xi32, #tpu.memory_space<hbm>> -> memref<1024xi32, #tpu.memory_space<hbm>>
      tpu.enqueue_dma source(%dma_start3A_33 : memref<1024xi32, #tpu.memory_space<hbm>>) target(%arg8 : memref<1024xi32, #tpu.memory_space<smem>>) target_semaphore(%arg10 : memref<!tpu.dma_semaphore, #tpu.memory_space<semaphore_mem>>)
      %dma_wait3A_34 = arith.constant 4096 : i32
      %dma_wait3A_35 = tpu.memref_slice %arg1[%dma_wait3A_34] : memref<6144xi32, #tpu.memory_space<hbm>> -> memref<1024xi32, #tpu.memory_space<hbm>>
      tpu.wait_dma2 semaphore(%arg10 : memref<!tpu.dma_semaphore, #tpu.memory_space<semaphore_mem>>) src(%dma_wait3A_35 : memref<1024xi32, #tpu.memory_space<hbm>>) dst(%arg8 : memref<1024xi32, #tpu.memory_space<smem>>)
      %scan3A_36 = arith.constant 0 : i32
      %scan3A_37 = arith.constant 16 : i32
      %scan3A_38 = arith.addi %scan3A_36, %scan3A_37 : i32
      %scan3A_39 = arith.constant 1 : i32
      scf.for %scan3A_46 = %scan3A_36 to %scan3A_38 step %scan3A_39  : i32 {
        %mul3A = arith.constant 1 : i32
        %mul3A_47 = arith.muli %scan3A_46, %mul3A : i32
        %add3A = arith.constant 0 : i32
        %add3A_48 = arith.addi %add3A, %mul3A_47 : i32
        %swap3A = arith.constant 0.000000e+00 : f32
        %swap3A_49 = arith.index_cast %add3A_48 : i32 to index
        %swap3A_50 = memref.load %arg9[%swap3A_49] : memref<16xf32, #tpu.memory_space<smem>>
        memref.store %swap3A, %arg9[%swap3A_49] : memref<16xf32, #tpu.memory_space<smem>>
      }
      %scan3A_40 = arith.constant 16 : i32
      %scan3A_41 = arith.constant 0 : i32
      %scan3A_42 = arith.constant 128 : i32
      %scan3A_43 = arith.addi %scan3A_41, %scan3A_42 : i32
      %scan3A_44 = arith.constant 1 : i32
      scf.for %scan3A_46 = %scan3A_41 to %scan3A_43 step %scan3A_44  : i32 {
        %mul3A = arith.constant 8 : i32
        %mul3A_47 = arith.muli %scan3A_46, %mul3A : i32
        %add3A = arith.constant 0 : i32
        %add3A_48 = arith.addi %add3A, %mul3A_47 : i32
        %add3A_49 = arith.constant 0 : i32
        %add3A_50 = arith.addi %add3A_48, %add3A_49 : i32
        %get3A = arith.index_cast %add3A_50 : i32 to index
        %get3A_51 = memref.load %arg8[%get3A] : memref<1024xi32, #tpu.memory_space<smem>>
        %get3A_52 = arith.index_cast %get3A_51 : i32 to index
        %get3A_53 = memref.load %arg9[%get3A_52] : memref<16xf32, #tpu.memory_space<smem>>
        %add3A_54 = arith.constant 1.000000e+00 : f32
        %add3A_55 = arith.addf %get3A_53, %add3A_54 : f32
        %swap3A = arith.index_cast %get3A_51 : i32 to index
        %swap3A_56 = memref.load %arg9[%swap3A] : memref<16xf32, #tpu.memory_space<smem>>
        memref.store %add3A_55, %arg9[%swap3A] : memref<16xf32, #tpu.memory_space<smem>>
        %add3A_57 = arith.constant 1 : i32
        %add3A_58 = arith.addi %add3A_48, %add3A_57 : i32
        %get3A_59 = arith.index_cast %add3A_58 : i32 to index
        %get3A_60 = memref.load %arg8[%get3A_59] : memref<1024xi32, #tpu.memory_space<smem>>
        %get3A_61 = arith.index_cast %get3A_60 : i32 to index
        %get3A_62 = memref.load %arg9[%get3A_61] : memref<16xf32, #tpu.memory_space<smem>>
        %add3A_63 = arith.constant 1.000000e+00 : f32
        %add3A_64 = arith.addf %get3A_62, %add3A_63 : f32
        %swap3A_65 = arith.index_cast %get3A_60 : i32 to index
        %swap3A_66 = memref.load %arg9[%swap3A_65] : memref<16xf32, #tpu.memory_space<smem>>
        memref.store %add3A_64, %arg9[%swap3A_65] : memref<16xf32, #tpu.memory_space<smem>>
        %add3A_67 = arith.constant 2 : i32
        %add3A_68 = arith.addi %add3A_48, %add3A_67 : i32
        %get3A_69 = arith.index_cast %add3A_68 : i32 to index
        %get3A_70 = memref.load %arg8[%get3A_69] : memref<1024xi32, #tpu.memory_space<smem>>
        %get3A_71 = arith.index_cast %get3A_70 : i32 to index
        %get3A_72 = memref.load %arg9[%get3A_71] : memref<16xf32, #tpu.memory_space<smem>>
        %add3A_73 = arith.constant 1.000000e+00 : f32
        %add3A_74 = arith.addf %get3A_72, %add3A_73 : f32
        %swap3A_75 = arith.index_cast %get3A_70 : i32 to index
        %swap3A_76 = memref.load %arg9[%swap3A_75] : memref<16xf32, #tpu.memory_space<smem>>
        memref.store %add3A_74, %arg9[%swap3A_75] : memref<16xf32, #tpu.memory_space<smem>>
        %add3A_77 = arith.constant 3 : i32
        %add3A_78 = arith.addi %add3A_48, %add3A_77 : i32
        %get3A_79 = arith.index_cast %add3A_78 : i32 to index
        %get3A_80 = memref.load %arg8[%get3A_79] : memref<1024xi32, #tpu.memory_space<smem>>
        %get3A_81 = arith.index_cast %get3A_80 : i32 to index
        %get3A_82 = memref.load %arg9[%get3A_81] : memref<16xf32, #tpu.memory_space<smem>>
        %add3A_83 = arith.constant 1.000000e+00 : f32
        %add3A_84 = arith.addf %get3A_82, %add3A_83 : f32
        %swap3A_85 = arith.index_cast %get3A_80 : i32 to index
        %swap3A_86 = memref.load %arg9[%swap3A_85] : memref<16xf32, #tpu.memory_space<smem>>
        memref.store %add3A_84, %arg9[%swap3A_85] : memref<16xf32, #tpu.memory_space<smem>>
        %add3A_87 = arith.constant 4 : i32
        %add3A_88 = arith.addi %add3A_48, %add3A_87 : i32
        %get3A_89 = arith.index_cast %add3A_88 : i32 to index
        %get3A_90 = memref.load %arg8[%get3A_89] : memref<1024xi32, #tpu.memory_space<smem>>
        %get3A_91 = arith.index_cast %get3A_90 : i32 to index
        %get3A_92 = memref.load %arg9[%get3A_91] : memref<16xf32, #tpu.memory_space<smem>>
        %add3A_93 = arith.constant 1.000000e+00 : f32
        %add3A_94 = arith.addf %get3A_92, %add3A_93 : f32
        %swap3A_95 = arith.index_cast %get3A_90 : i32 to index
        %swap3A_96 = memref.load %arg9[%swap3A_95] : memref<16xf32, #tpu.memory_space<smem>>
        memref.store %add3A_94, %arg9[%swap3A_95] : memref<16xf32, #tpu.memory_space<smem>>
        %add3A_97 = arith.constant 5 : i32
        %add3A_98 = arith.addi %add3A_48, %add3A_97 : i32
        %get3A_99 = arith.index_cast %add3A_98 : i32 to index
        %get3A_100 = memref.load %arg8[%get3A_99] : memref<1024xi32, #tpu.memory_space<smem>>
        %get3A_101 = arith.index_cast %get3A_100 : i32 to index
        %get3A_102 = memref.load %arg9[%get3A_101] : memref<16xf32, #tpu.memory_space<smem>>
        %add3A_103 = arith.constant 1.000000e+00 : f32
        %add3A_104 = arith.addf %get3A_102, %add3A_103 : f32
        %swap3A_105 = arith.index_cast %get3A_100 : i32 to index
        %swap3A_106 = memref.load %arg9[%swap3A_105] : memref<16xf32, #tpu.memory_space<smem>>
        memref.store %add3A_104, %arg9[%swap3A_105] : memref<16xf32, #tpu.memory_space<smem>>
        %add3A_107 = arith.constant 6 : i32
        %add3A_108 = arith.addi %add3A_48, %add3A_107 : i32
        %get3A_109 = arith.index_cast %add3A_108 : i32 to index
        %get3A_110 = memref.load %arg8[%get3A_109] : memref<1024xi32, #tpu.memory_space<smem>>
        %get3A_111 = arith.index_cast %get3A_110 : i32 to index
        %get3A_112 = memref.load %arg9[%get3A_111] : memref<16xf32, #tpu.memory_space<smem>>
        %add3A_113 = arith.constant 1.000000e+00 : f32
        %add3A_114 = arith.addf %get3A_112, %add3A_113 : f32
        %swap3A_115 = arith.index_cast %get3A_110 : i32 to index
        %swap3A_116 = memref.load %arg9[%swap3A_115] : memref<16xf32, #tpu.memory_space<smem>>
        memref.store %add3A_114, %arg9[%swap3A_115] : memref<16xf32, #tpu.memory_space<smem>>
        %add3A_117 = arith.constant 7 : i32
        %add3A_118 = arith.addi %add3A_48, %add3A_117 : i32
        %get3A_119 = arith.index_cast %add3A_118 : i32 to index
        %get3A_120 = memref.load %arg8[%get3A_119] : memref<1024xi32, #tpu.memory_space<smem>>
        %get3A_121 = arith.index_cast %get3A_120 : i32 to index
        %get3A_122 = memref.load %arg9[%get3A_121] : memref<16xf32, #tpu.memory_space<smem>>
        %add3A_123 = arith.constant 1.000000e+00 : f32
        %add3A_124 = arith.addf %get3A_122, %add3A_123 : f32
        %swap3A_125 = arith.index_cast %get3A_120 : i32 to index
        %swap3A_126 = memref.load %arg9[%swap3A_125] : memref<16xf32, #tpu.memory_space<smem>>
        memref.store %add3A_124, %arg9[%swap3A_125] : memref<16xf32, #tpu.memory_space<smem>>
      }
      %scan3A_45 = arith.constant 128 : i32
      tpu.enqueue_dma source(%arg9 : memref<16xf32, #tpu.memory_space<smem>>) target(%arg4 : memref<16xf32, #tpu.memory_space<hbm>>) target_semaphore(%arg10 : memref<!tpu.dma_semaphore, #tpu.memory_space<semaphore_mem>>)
      tpu.wait_dma2 semaphore(%arg10 : memref<!tpu.dma_semaphore, #tpu.memory_space<semaphore_mem>>) src(%arg9 : memref<16xf32, #tpu.memory_space<smem>>) dst(%arg4 : memref<16xf32, #tpu.memory_space<hbm>>)
    } else {
    }
    %eq3A_2 = arith.constant 1 : i32
    %eq3A_3 = arith.cmpi eq, %arg0, %eq3A_2 : i32
    %convert_element_type3A_4 = arith.extui %eq3A_3 : i1 to i32
    %cond3A_5 = arith.constant 0 : i32
    %cond3A_6 = arith.cmpi ne, %convert_element_type3A_4, %cond3A_5 : i32
    scf.if %cond3A_6 {
      %dma_start3A = arith.constant 1024 : i32
      %dma_start3A_7 = tpu.memref_slice %arg1[%dma_start3A] : memref<6144xi32, #tpu.memory_space<hbm>> -> memref<1024xi32, #tpu.memory_space<hbm>>
      tpu.enqueue_dma source(%dma_start3A_7 : memref<1024xi32, #tpu.memory_space<hbm>>) target(%arg8 : memref<1024xi32, #tpu.memory_space<smem>>) target_semaphore(%arg10 : memref<!tpu.dma_semaphore, #tpu.memory_space<semaphore_mem>>)
      %dma_wait3A = arith.constant 1024 : i32
      %dma_wait3A_8 = tpu.memref_slice %arg1[%dma_wait3A] : memref<6144xi32, #tpu.memory_space<hbm>> -> memref<1024xi32, #tpu.memory_space<hbm>>
      tpu.wait_dma2 semaphore(%arg10 : memref<!tpu.dma_semaphore, #tpu.memory_space<semaphore_mem>>) src(%dma_wait3A_8 : memref<1024xi32, #tpu.memory_space<hbm>>) dst(%arg8 : memref<1024xi32, #tpu.memory_space<smem>>)
      %scan3A = arith.constant 0 : i32
      %scan3A_9 = arith.constant 16 : i32
      %scan3A_10 = arith.addi %scan3A, %scan3A_9 : i32
      %scan3A_11 = arith.constant 1 : i32
      scf.for %scan3A_46 = %scan3A to %scan3A_10 step %scan3A_11  : i32 {
        %mul3A = arith.constant 1 : i32
        %mul3A_47 = arith.muli %scan3A_46, %mul3A : i32
        %add3A = arith.constant 0 : i32
        %add3A_48 = arith.addi %add3A, %mul3A_47 : i32
        %swap3A = arith.constant 0.000000e+00 : f32
        %swap3A_49 = arith.index_cast %add3A_48 : i32 to index
        %swap3A_50 = memref.load %arg9[%swap3A_49] : memref<16xf32, #tpu.memory_space<smem>>
        memref.store %swap3A, %arg9[%swap3A_49] : memref<16xf32, #tpu.memory_space<smem>>
      }
      %scan3A_12 = arith.constant 16 : i32
      %scan3A_13 = arith.constant 0 : i32
      %scan3A_14 = arith.constant 128 : i32
      %scan3A_15 = arith.addi %scan3A_13, %scan3A_14 : i32
      %scan3A_16 = arith.constant 1 : i32
      scf.for %scan3A_46 = %scan3A_13 to %scan3A_15 step %scan3A_16  : i32 {
        %mul3A = arith.constant 8 : i32
        %mul3A_47 = arith.muli %scan3A_46, %mul3A : i32
        %add3A = arith.constant 0 : i32
        %add3A_48 = arith.addi %add3A, %mul3A_47 : i32
        %add3A_49 = arith.constant 0 : i32
        %add3A_50 = arith.addi %add3A_48, %add3A_49 : i32
        %get3A = arith.index_cast %add3A_50 : i32 to index
        %get3A_51 = memref.load %arg8[%get3A] : memref<1024xi32, #tpu.memory_space<smem>>
        %get3A_52 = arith.index_cast %get3A_51 : i32 to index
        %get3A_53 = memref.load %arg9[%get3A_52] : memref<16xf32, #tpu.memory_space<smem>>
        %add3A_54 = arith.constant 1.000000e+00 : f32
        %add3A_55 = arith.addf %get3A_53, %add3A_54 : f32
        %swap3A = arith.index_cast %get3A_51 : i32 to index
        %swap3A_56 = memref.load %arg9[%swap3A] : memref<16xf32, #tpu.memory_space<smem>>
        memref.store %add3A_55, %arg9[%swap3A] : memref<16xf32, #tpu.memory_space<smem>>
        %add3A_57 = arith.constant 1 : i32
        %add3A_58 = arith.addi %add3A_48, %add3A_57 : i32
        %get3A_59 = arith.index_cast %add3A_58 : i32 to index
        %get3A_60 = memref.load %arg8[%get3A_59] : memref<1024xi32, #tpu.memory_space<smem>>
        %get3A_61 = arith.index_cast %get3A_60 : i32 to index
        %get3A_62 = memref.load %arg9[%get3A_61] : memref<16xf32, #tpu.memory_space<smem>>
        %add3A_63 = arith.constant 1.000000e+00 : f32
        %add3A_64 = arith.addf %get3A_62, %add3A_63 : f32
        %swap3A_65 = arith.index_cast %get3A_60 : i32 to index
        %swap3A_66 = memref.load %arg9[%swap3A_65] : memref<16xf32, #tpu.memory_space<smem>>
        memref.store %add3A_64, %arg9[%swap3A_65] : memref<16xf32, #tpu.memory_space<smem>>
        %add3A_67 = arith.constant 2 : i32
        %add3A_68 = arith.addi %add3A_48, %add3A_67 : i32
        %get3A_69 = arith.index_cast %add3A_68 : i32 to index
        %get3A_70 = memref.load %arg8[%get3A_69] : memref<1024xi32, #tpu.memory_space<smem>>
        %get3A_71 = arith.index_cast %get3A_70 : i32 to index
        %get3A_72 = memref.load %arg9[%get3A_71] : memref<16xf32, #tpu.memory_space<smem>>
        %add3A_73 = arith.constant 1.000000e+00 : f32
        %add3A_74 = arith.addf %get3A_72, %add3A_73 : f32
        %swap3A_75 = arith.index_cast %get3A_70 : i32 to index
        %swap3A_76 = memref.load %arg9[%swap3A_75] : memref<16xf32, #tpu.memory_space<smem>>
        memref.store %add3A_74, %arg9[%swap3A_75] : memref<16xf32, #tpu.memory_space<smem>>
        %add3A_77 = arith.constant 3 : i32
        %add3A_78 = arith.addi %add3A_48, %add3A_77 : i32
        %get3A_79 = arith.index_cast %add3A_78 : i32 to index
        %get3A_80 = memref.load %arg8[%get3A_79] : memref<1024xi32, #tpu.memory_space<smem>>
        %get3A_81 = arith.index_cast %get3A_80 : i32 to index
        %get3A_82 = memref.load %arg9[%get3A_81] : memref<16xf32, #tpu.memory_space<smem>>
        %add3A_83 = arith.constant 1.000000e+00 : f32
        %add3A_84 = arith.addf %get3A_82, %add3A_83 : f32
        %swap3A_85 = arith.index_cast %get3A_80 : i32 to index
        %swap3A_86 = memref.load %arg9[%swap3A_85] : memref<16xf32, #tpu.memory_space<smem>>
        memref.store %add3A_84, %arg9[%swap3A_85] : memref<16xf32, #tpu.memory_space<smem>>
        %add3A_87 = arith.constant 4 : i32
        %add3A_88 = arith.addi %add3A_48, %add3A_87 : i32
        %get3A_89 = arith.index_cast %add3A_88 : i32 to index
        %get3A_90 = memref.load %arg8[%get3A_89] : memref<1024xi32, #tpu.memory_space<smem>>
        %get3A_91 = arith.index_cast %get3A_90 : i32 to index
        %get3A_92 = memref.load %arg9[%get3A_91] : memref<16xf32, #tpu.memory_space<smem>>
        %add3A_93 = arith.constant 1.000000e+00 : f32
        %add3A_94 = arith.addf %get3A_92, %add3A_93 : f32
        %swap3A_95 = arith.index_cast %get3A_90 : i32 to index
        %swap3A_96 = memref.load %arg9[%swap3A_95] : memref<16xf32, #tpu.memory_space<smem>>
        memref.store %add3A_94, %arg9[%swap3A_95] : memref<16xf32, #tpu.memory_space<smem>>
        %add3A_97 = arith.constant 5 : i32
        %add3A_98 = arith.addi %add3A_48, %add3A_97 : i32
        %get3A_99 = arith.index_cast %add3A_98 : i32 to index
        %get3A_100 = memref.load %arg8[%get3A_99] : memref<1024xi32, #tpu.memory_space<smem>>
        %get3A_101 = arith.index_cast %get3A_100 : i32 to index
        %get3A_102 = memref.load %arg9[%get3A_101] : memref<16xf32, #tpu.memory_space<smem>>
        %add3A_103 = arith.constant 1.000000e+00 : f32
        %add3A_104 = arith.addf %get3A_102, %add3A_103 : f32
        %swap3A_105 = arith.index_cast %get3A_100 : i32 to index
        %swap3A_106 = memref.load %arg9[%swap3A_105] : memref<16xf32, #tpu.memory_space<smem>>
        memref.store %add3A_104, %arg9[%swap3A_105] : memref<16xf32, #tpu.memory_space<smem>>
        %add3A_107 = arith.constant 6 : i32
        %add3A_108 = arith.addi %add3A_48, %add3A_107 : i32
        %get3A_109 = arith.index_cast %add3A_108 : i32 to index
        %get3A_110 = memref.load %arg8[%get3A_109] : memref<1024xi32, #tpu.memory_space<smem>>
        %get3A_111 = arith.index_cast %get3A_110 : i32 to index
        %get3A_112 = memref.load %arg9[%get3A_111] : memref<16xf32, #tpu.memory_space<smem>>
        %add3A_113 = arith.constant 1.000000e+00 : f32
        %add3A_114 = arith.addf %get3A_112, %add3A_113 : f32
        %swap3A_115 = arith.index_cast %get3A_110 : i32 to index
        %swap3A_116 = memref.load %arg9[%swap3A_115] : memref<16xf32, #tpu.memory_space<smem>>
        memref.store %add3A_114, %arg9[%swap3A_115] : memref<16xf32, #tpu.memory_space<smem>>
        %add3A_117 = arith.constant 7 : i32
        %add3A_118 = arith.addi %add3A_48, %add3A_117 : i32
        %get3A_119 = arith.index_cast %add3A_118 : i32 to index
        %get3A_120 = memref.load %arg8[%get3A_119] : memref<1024xi32, #tpu.memory_space<smem>>
        %get3A_121 = arith.index_cast %get3A_120 : i32 to index
        %get3A_122 = memref.load %arg9[%get3A_121] : memref<16xf32, #tpu.memory_space<smem>>
        %add3A_123 = arith.constant 1.000000e+00 : f32
        %add3A_124 = arith.addf %get3A_122, %add3A_123 : f32
        %swap3A_125 = arith.index_cast %get3A_120 : i32 to index
        %swap3A_126 = memref.load %arg9[%swap3A_125] : memref<16xf32, #tpu.memory_space<smem>>
        memref.store %add3A_124, %arg9[%swap3A_125] : memref<16xf32, #tpu.memory_space<smem>>
      }
      %scan3A_17 = arith.constant 128 : i32
      tpu.enqueue_dma source(%arg9 : memref<16xf32, #tpu.memory_space<smem>>) target(%arg5 : memref<16xf32, #tpu.memory_space<hbm>>) target_semaphore(%arg10 : memref<!tpu.dma_semaphore, #tpu.memory_space<semaphore_mem>>)
      tpu.wait_dma2 semaphore(%arg10 : memref<!tpu.dma_semaphore, #tpu.memory_space<semaphore_mem>>) src(%arg9 : memref<16xf32, #tpu.memory_space<smem>>) dst(%arg5 : memref<16xf32, #tpu.memory_space<hbm>>)
      %dma_start3A_18 = arith.constant 3072 : i32
      %dma_start3A_19 = tpu.memref_slice %arg1[%dma_start3A_18] : memref<6144xi32, #tpu.memory_space<hbm>> -> memref<1024xi32, #tpu.memory_space<hbm>>
      tpu.enqueue_dma source(%dma_start3A_19 : memref<1024xi32, #tpu.memory_space<hbm>>) target(%arg8 : memref<1024xi32, #tpu.memory_space<smem>>) target_semaphore(%arg10 : memref<!tpu.dma_semaphore, #tpu.memory_space<semaphore_mem>>)
      %dma_wait3A_20 = arith.constant 3072 : i32
      %dma_wait3A_21 = tpu.memref_slice %arg1[%dma_wait3A_20] : memref<6144xi32, #tpu.memory_space<hbm>> -> memref<1024xi32, #tpu.memory_space<hbm>>
      tpu.wait_dma2 semaphore(%arg10 : memref<!tpu.dma_semaphore, #tpu.memory_space<semaphore_mem>>) src(%dma_wait3A_21 : memref<1024xi32, #tpu.memory_space<hbm>>) dst(%arg8 : memref<1024xi32, #tpu.memory_space<smem>>)
      %scan3A_22 = arith.constant 0 : i32
      %scan3A_23 = arith.constant 16 : i32
      %scan3A_24 = arith.addi %scan3A_22, %scan3A_23 : i32
      %scan3A_25 = arith.constant 1 : i32
      scf.for %scan3A_46 = %scan3A_22 to %scan3A_24 step %scan3A_25  : i32 {
        %mul3A = arith.constant 1 : i32
        %mul3A_47 = arith.muli %scan3A_46, %mul3A : i32
        %add3A = arith.constant 0 : i32
        %add3A_48 = arith.addi %add3A, %mul3A_47 : i32
        %swap3A = arith.constant 0.000000e+00 : f32
        %swap3A_49 = arith.index_cast %add3A_48 : i32 to index
        %swap3A_50 = memref.load %arg9[%swap3A_49] : memref<16xf32, #tpu.memory_space<smem>>
        memref.store %swap3A, %arg9[%swap3A_49] : memref<16xf32, #tpu.memory_space<smem>>
      }
      %scan3A_26 = arith.constant 16 : i32
      %scan3A_27 = arith.constant 0 : i32
      %scan3A_28 = arith.constant 128 : i32
      %scan3A_29 = arith.addi %scan3A_27, %scan3A_28 : i32
      %scan3A_30 = arith.constant 1 : i32
      scf.for %scan3A_46 = %scan3A_27 to %scan3A_29 step %scan3A_30  : i32 {
        %mul3A = arith.constant 8 : i32
        %mul3A_47 = arith.muli %scan3A_46, %mul3A : i32
        %add3A = arith.constant 0 : i32
        %add3A_48 = arith.addi %add3A, %mul3A_47 : i32
        %add3A_49 = arith.constant 0 : i32
        %add3A_50 = arith.addi %add3A_48, %add3A_49 : i32
        %get3A = arith.index_cast %add3A_50 : i32 to index
        %get3A_51 = memref.load %arg8[%get3A] : memref<1024xi32, #tpu.memory_space<smem>>
        %get3A_52 = arith.index_cast %get3A_51 : i32 to index
        %get3A_53 = memref.load %arg9[%get3A_52] : memref<16xf32, #tpu.memory_space<smem>>
        %add3A_54 = arith.constant 1.000000e+00 : f32
        %add3A_55 = arith.addf %get3A_53, %add3A_54 : f32
        %swap3A = arith.index_cast %get3A_51 : i32 to index
        %swap3A_56 = memref.load %arg9[%swap3A] : memref<16xf32, #tpu.memory_space<smem>>
        memref.store %add3A_55, %arg9[%swap3A] : memref<16xf32, #tpu.memory_space<smem>>
        %add3A_57 = arith.constant 1 : i32
        %add3A_58 = arith.addi %add3A_48, %add3A_57 : i32
        %get3A_59 = arith.index_cast %add3A_58 : i32 to index
        %get3A_60 = memref.load %arg8[%get3A_59] : memref<1024xi32, #tpu.memory_space<smem>>
        %get3A_61 = arith.index_cast %get3A_60 : i32 to index
        %get3A_62 = memref.load %arg9[%get3A_61] : memref<16xf32, #tpu.memory_space<smem>>
        %add3A_63 = arith.constant 1.000000e+00 : f32
        %add3A_64 = arith.addf %get3A_62, %add3A_63 : f32
        %swap3A_65 = arith.index_cast %get3A_60 : i32 to index
        %swap3A_66 = memref.load %arg9[%swap3A_65] : memref<16xf32, #tpu.memory_space<smem>>
        memref.store %add3A_64, %arg9[%swap3A_65] : memref<16xf32, #tpu.memory_space<smem>>
        %add3A_67 = arith.constant 2 : i32
        %add3A_68 = arith.addi %add3A_48, %add3A_67 : i32
        %get3A_69 = arith.index_cast %add3A_68 : i32 to index
        %get3A_70 = memref.load %arg8[%get3A_69] : memref<1024xi32, #tpu.memory_space<smem>>
        %get3A_71 = arith.index_cast %get3A_70 : i32 to index
        %get3A_72 = memref.load %arg9[%get3A_71] : memref<16xf32, #tpu.memory_space<smem>>
        %add3A_73 = arith.constant 1.000000e+00 : f32
        %add3A_74 = arith.addf %get3A_72, %add3A_73 : f32
        %swap3A_75 = arith.index_cast %get3A_70 : i32 to index
        %swap3A_76 = memref.load %arg9[%swap3A_75] : memref<16xf32, #tpu.memory_space<smem>>
        memref.store %add3A_74, %arg9[%swap3A_75] : memref<16xf32, #tpu.memory_space<smem>>
        %add3A_77 = arith.constant 3 : i32
        %add3A_78 = arith.addi %add3A_48, %add3A_77 : i32
        %get3A_79 = arith.index_cast %add3A_78 : i32 to index
        %get3A_80 = memref.load %arg8[%get3A_79] : memref<1024xi32, #tpu.memory_space<smem>>
        %get3A_81 = arith.index_cast %get3A_80 : i32 to index
        %get3A_82 = memref.load %arg9[%get3A_81] : memref<16xf32, #tpu.memory_space<smem>>
        %add3A_83 = arith.constant 1.000000e+00 : f32
        %add3A_84 = arith.addf %get3A_82, %add3A_83 : f32
        %swap3A_85 = arith.index_cast %get3A_80 : i32 to index
        %swap3A_86 = memref.load %arg9[%swap3A_85] : memref<16xf32, #tpu.memory_space<smem>>
        memref.store %add3A_84, %arg9[%swap3A_85] : memref<16xf32, #tpu.memory_space<smem>>
        %add3A_87 = arith.constant 4 : i32
        %add3A_88 = arith.addi %add3A_48, %add3A_87 : i32
        %get3A_89 = arith.index_cast %add3A_88 : i32 to index
        %get3A_90 = memref.load %arg8[%get3A_89] : memref<1024xi32, #tpu.memory_space<smem>>
        %get3A_91 = arith.index_cast %get3A_90 : i32 to index
        %get3A_92 = memref.load %arg9[%get3A_91] : memref<16xf32, #tpu.memory_space<smem>>
        %add3A_93 = arith.constant 1.000000e+00 : f32
        %add3A_94 = arith.addf %get3A_92, %add3A_93 : f32
        %swap3A_95 = arith.index_cast %get3A_90 : i32 to index
        %swap3A_96 = memref.load %arg9[%swap3A_95] : memref<16xf32, #tpu.memory_space<smem>>
        memref.store %add3A_94, %arg9[%swap3A_95] : memref<16xf32, #tpu.memory_space<smem>>
        %add3A_97 = arith.constant 5 : i32
        %add3A_98 = arith.addi %add3A_48, %add3A_97 : i32
        %get3A_99 = arith.index_cast %add3A_98 : i32 to index
        %get3A_100 = memref.load %arg8[%get3A_99] : memref<1024xi32, #tpu.memory_space<smem>>
        %get3A_101 = arith.index_cast %get3A_100 : i32 to index
        %get3A_102 = memref.load %arg9[%get3A_101] : memref<16xf32, #tpu.memory_space<smem>>
        %add3A_103 = arith.constant 1.000000e+00 : f32
        %add3A_104 = arith.addf %get3A_102, %add3A_103 : f32
        %swap3A_105 = arith.index_cast %get3A_100 : i32 to index
        %swap3A_106 = memref.load %arg9[%swap3A_105] : memref<16xf32, #tpu.memory_space<smem>>
        memref.store %add3A_104, %arg9[%swap3A_105] : memref<16xf32, #tpu.memory_space<smem>>
        %add3A_107 = arith.constant 6 : i32
        %add3A_108 = arith.addi %add3A_48, %add3A_107 : i32
        %get3A_109 = arith.index_cast %add3A_108 : i32 to index
        %get3A_110 = memref.load %arg8[%get3A_109] : memref<1024xi32, #tpu.memory_space<smem>>
        %get3A_111 = arith.index_cast %get3A_110 : i32 to index
        %get3A_112 = memref.load %arg9[%get3A_111] : memref<16xf32, #tpu.memory_space<smem>>
        %add3A_113 = arith.constant 1.000000e+00 : f32
        %add3A_114 = arith.addf %get3A_112, %add3A_113 : f32
        %swap3A_115 = arith.index_cast %get3A_110 : i32 to index
        %swap3A_116 = memref.load %arg9[%swap3A_115] : memref<16xf32, #tpu.memory_space<smem>>
        memref.store %add3A_114, %arg9[%swap3A_115] : memref<16xf32, #tpu.memory_space<smem>>
        %add3A_117 = arith.constant 7 : i32
        %add3A_118 = arith.addi %add3A_48, %add3A_117 : i32
        %get3A_119 = arith.index_cast %add3A_118 : i32 to index
        %get3A_120 = memref.load %arg8[%get3A_119] : memref<1024xi32, #tpu.memory_space<smem>>
        %get3A_121 = arith.index_cast %get3A_120 : i32 to index
        %get3A_122 = memref.load %arg9[%get3A_121] : memref<16xf32, #tpu.memory_space<smem>>
        %add3A_123 = arith.constant 1.000000e+00 : f32
        %add3A_124 = arith.addf %get3A_122, %add3A_123 : f32
        %swap3A_125 = arith.index_cast %get3A_120 : i32 to index
        %swap3A_126 = memref.load %arg9[%swap3A_125] : memref<16xf32, #tpu.memory_space<smem>>
        memref.store %add3A_124, %arg9[%swap3A_125] : memref<16xf32, #tpu.memory_space<smem>>
      }
      %scan3A_31 = arith.constant 128 : i32
      tpu.enqueue_dma source(%arg9 : memref<16xf32, #tpu.memory_space<smem>>) target(%arg6 : memref<16xf32, #tpu.memory_space<hbm>>) target_semaphore(%arg10 : memref<!tpu.dma_semaphore, #tpu.memory_space<semaphore_mem>>)
      tpu.wait_dma2 semaphore(%arg10 : memref<!tpu.dma_semaphore, #tpu.memory_space<semaphore_mem>>) src(%arg9 : memref<16xf32, #tpu.memory_space<smem>>) dst(%arg6 : memref<16xf32, #tpu.memory_space<hbm>>)
      %dma_start3A_32 = arith.constant 5120 : i32
      %dma_start3A_33 = tpu.memref_slice %arg1[%dma_start3A_32] : memref<6144xi32, #tpu.memory_space<hbm>> -> memref<1024xi32, #tpu.memory_space<hbm>>
      tpu.enqueue_dma source(%dma_start3A_33 : memref<1024xi32, #tpu.memory_space<hbm>>) target(%arg8 : memref<1024xi32, #tpu.memory_space<smem>>) target_semaphore(%arg10 : memref<!tpu.dma_semaphore, #tpu.memory_space<semaphore_mem>>)
      %dma_wait3A_34 = arith.constant 5120 : i32
      %dma_wait3A_35 = tpu.memref_slice %arg1[%dma_wait3A_34] : memref<6144xi32, #tpu.memory_space<hbm>> -> memref<1024xi32, #tpu.memory_space<hbm>>
      tpu.wait_dma2 semaphore(%arg10 : memref<!tpu.dma_semaphore, #tpu.memory_space<semaphore_mem>>) src(%dma_wait3A_35 : memref<1024xi32, #tpu.memory_space<hbm>>) dst(%arg8 : memref<1024xi32, #tpu.memory_space<smem>>)
      %scan3A_36 = arith.constant 0 : i32
      %scan3A_37 = arith.constant 16 : i32
      %scan3A_38 = arith.addi %scan3A_36, %scan3A_37 : i32
      %scan3A_39 = arith.constant 1 : i32
      scf.for %scan3A_46 = %scan3A_36 to %scan3A_38 step %scan3A_39  : i32 {
        %mul3A = arith.constant 1 : i32
        %mul3A_47 = arith.muli %scan3A_46, %mul3A : i32
        %add3A = arith.constant 0 : i32
        %add3A_48 = arith.addi %add3A, %mul3A_47 : i32
        %swap3A = arith.constant 0.000000e+00 : f32
        %swap3A_49 = arith.index_cast %add3A_48 : i32 to index
        %swap3A_50 = memref.load %arg9[%swap3A_49] : memref<16xf32, #tpu.memory_space<smem>>
        memref.store %swap3A, %arg9[%swap3A_49] : memref<16xf32, #tpu.memory_space<smem>>
      }
      %scan3A_40 = arith.constant 16 : i32
      %scan3A_41 = arith.constant 0 : i32
      %scan3A_42 = arith.constant 128 : i32
      %scan3A_43 = arith.addi %scan3A_41, %scan3A_42 : i32
      %scan3A_44 = arith.constant 1 : i32
      scf.for %scan3A_46 = %scan3A_41 to %scan3A_43 step %scan3A_44  : i32 {
        %mul3A = arith.constant 8 : i32
        %mul3A_47 = arith.muli %scan3A_46, %mul3A : i32
        %add3A = arith.constant 0 : i32
        %add3A_48 = arith.addi %add3A, %mul3A_47 : i32
        %add3A_49 = arith.constant 0 : i32
        %add3A_50 = arith.addi %add3A_48, %add3A_49 : i32
        %get3A = arith.index_cast %add3A_50 : i32 to index
        %get3A_51 = memref.load %arg8[%get3A] : memref<1024xi32, #tpu.memory_space<smem>>
        %get3A_52 = arith.index_cast %get3A_51 : i32 to index
        %get3A_53 = memref.load %arg9[%get3A_52] : memref<16xf32, #tpu.memory_space<smem>>
        %add3A_54 = arith.constant 1.000000e+00 : f32
        %add3A_55 = arith.addf %get3A_53, %add3A_54 : f32
        %swap3A = arith.index_cast %get3A_51 : i32 to index
        %swap3A_56 = memref.load %arg9[%swap3A] : memref<16xf32, #tpu.memory_space<smem>>
        memref.store %add3A_55, %arg9[%swap3A] : memref<16xf32, #tpu.memory_space<smem>>
        %add3A_57 = arith.constant 1 : i32
        %add3A_58 = arith.addi %add3A_48, %add3A_57 : i32
        %get3A_59 = arith.index_cast %add3A_58 : i32 to index
        %get3A_60 = memref.load %arg8[%get3A_59] : memref<1024xi32, #tpu.memory_space<smem>>
        %get3A_61 = arith.index_cast %get3A_60 : i32 to index
        %get3A_62 = memref.load %arg9[%get3A_61] : memref<16xf32, #tpu.memory_space<smem>>
        %add3A_63 = arith.constant 1.000000e+00 : f32
        %add3A_64 = arith.addf %get3A_62, %add3A_63 : f32
        %swap3A_65 = arith.index_cast %get3A_60 : i32 to index
        %swap3A_66 = memref.load %arg9[%swap3A_65] : memref<16xf32, #tpu.memory_space<smem>>
        memref.store %add3A_64, %arg9[%swap3A_65] : memref<16xf32, #tpu.memory_space<smem>>
        %add3A_67 = arith.constant 2 : i32
        %add3A_68 = arith.addi %add3A_48, %add3A_67 : i32
        %get3A_69 = arith.index_cast %add3A_68 : i32 to index
        %get3A_70 = memref.load %arg8[%get3A_69] : memref<1024xi32, #tpu.memory_space<smem>>
        %get3A_71 = arith.index_cast %get3A_70 : i32 to index
        %get3A_72 = memref.load %arg9[%get3A_71] : memref<16xf32, #tpu.memory_space<smem>>
        %add3A_73 = arith.constant 1.000000e+00 : f32
        %add3A_74 = arith.addf %get3A_72, %add3A_73 : f32
        %swap3A_75 = arith.index_cast %get3A_70 : i32 to index
        %swap3A_76 = memref.load %arg9[%swap3A_75] : memref<16xf32, #tpu.memory_space<smem>>
        memref.store %add3A_74, %arg9[%swap3A_75] : memref<16xf32, #tpu.memory_space<smem>>
        %add3A_77 = arith.constant 3 : i32
        %add3A_78 = arith.addi %add3A_48, %add3A_77 : i32
        %get3A_79 = arith.index_cast %add3A_78 : i32 to index
        %get3A_80 = memref.load %arg8[%get3A_79] : memref<1024xi32, #tpu.memory_space<smem>>
        %get3A_81 = arith.index_cast %get3A_80 : i32 to index
        %get3A_82 = memref.load %arg9[%get3A_81] : memref<16xf32, #tpu.memory_space<smem>>
        %add3A_83 = arith.constant 1.000000e+00 : f32
        %add3A_84 = arith.addf %get3A_82, %add3A_83 : f32
        %swap3A_85 = arith.index_cast %get3A_80 : i32 to index
        %swap3A_86 = memref.load %arg9[%swap3A_85] : memref<16xf32, #tpu.memory_space<smem>>
        memref.store %add3A_84, %arg9[%swap3A_85] : memref<16xf32, #tpu.memory_space<smem>>
        %add3A_87 = arith.constant 4 : i32
        %add3A_88 = arith.addi %add3A_48, %add3A_87 : i32
        %get3A_89 = arith.index_cast %add3A_88 : i32 to index
        %get3A_90 = memref.load %arg8[%get3A_89] : memref<1024xi32, #tpu.memory_space<smem>>
        %get3A_91 = arith.index_cast %get3A_90 : i32 to index
        %get3A_92 = memref.load %arg9[%get3A_91] : memref<16xf32, #tpu.memory_space<smem>>
        %add3A_93 = arith.constant 1.000000e+00 : f32
        %add3A_94 = arith.addf %get3A_92, %add3A_93 : f32
        %swap3A_95 = arith.index_cast %get3A_90 : i32 to index
        %swap3A_96 = memref.load %arg9[%swap3A_95] : memref<16xf32, #tpu.memory_space<smem>>
        memref.store %add3A_94, %arg9[%swap3A_95] : memref<16xf32, #tpu.memory_space<smem>>
        %add3A_97 = arith.constant 5 : i32
        %add3A_98 = arith.addi %add3A_48, %add3A_97 : i32
        %get3A_99 = arith.index_cast %add3A_98 : i32 to index
        %get3A_100 = memref.load %arg8[%get3A_99] : memref<1024xi32, #tpu.memory_space<smem>>
        %get3A_101 = arith.index_cast %get3A_100 : i32 to index
        %get3A_102 = memref.load %arg9[%get3A_101] : memref<16xf32, #tpu.memory_space<smem>>
        %add3A_103 = arith.constant 1.000000e+00 : f32
        %add3A_104 = arith.addf %get3A_102, %add3A_103 : f32
        %swap3A_105 = arith.index_cast %get3A_100 : i32 to index
        %swap3A_106 = memref.load %arg9[%swap3A_105] : memref<16xf32, #tpu.memory_space<smem>>
        memref.store %add3A_104, %arg9[%swap3A_105] : memref<16xf32, #tpu.memory_space<smem>>
        %add3A_107 = arith.constant 6 : i32
        %add3A_108 = arith.addi %add3A_48, %add3A_107 : i32
        %get3A_109 = arith.index_cast %add3A_108 : i32 to index
        %get3A_110 = memref.load %arg8[%get3A_109] : memref<1024xi32, #tpu.memory_space<smem>>
        %get3A_111 = arith.index_cast %get3A_110 : i32 to index
        %get3A_112 = memref.load %arg9[%get3A_111] : memref<16xf32, #tpu.memory_space<smem>>
        %add3A_113 = arith.constant 1.000000e+00 : f32
        %add3A_114 = arith.addf %get3A_112, %add3A_113 : f32
        %swap3A_115 = arith.index_cast %get3A_110 : i32 to index
        %swap3A_116 = memref.load %arg9[%swap3A_115] : memref<16xf32, #tpu.memory_space<smem>>
        memref.store %add3A_114, %arg9[%swap3A_115] : memref<16xf32, #tpu.memory_space<smem>>
        %add3A_117 = arith.constant 7 : i32
        %add3A_118 = arith.addi %add3A_48, %add3A_117 : i32
        %get3A_119 = arith.index_cast %add3A_118 : i32 to index
        %get3A_120 = memref.load %arg8[%get3A_119] : memref<1024xi32, #tpu.memory_space<smem>>
        %get3A_121 = arith.index_cast %get3A_120 : i32 to index
        %get3A_122 = memref.load %arg9[%get3A_121] : memref<16xf32, #tpu.memory_space<smem>>
        %add3A_123 = arith.constant 1.000000e+00 : f32
        %add3A_124 = arith.addf %get3A_122, %add3A_123 : f32
        %swap3A_125 = arith.index_cast %get3A_120 : i32 to index
        %swap3A_126 = memref.load %arg9[%swap3A_125] : memref<16xf32, #tpu.memory_space<smem>>
        memref.store %add3A_124, %arg9[%swap3A_125] : memref<16xf32, #tpu.memory_space<smem>>
      }
      %scan3A_45 = arith.constant 128 : i32
      tpu.enqueue_dma source(%arg9 : memref<16xf32, #tpu.memory_space<smem>>) target(%arg7 : memref<16xf32, #tpu.memory_space<hbm>>) target_semaphore(%arg10 : memref<!tpu.dma_semaphore, #tpu.memory_space<semaphore_mem>>)
      tpu.wait_dma2 semaphore(%arg10 : memref<!tpu.dma_semaphore, #tpu.memory_space<semaphore_mem>>) src(%arg9 : memref<16xf32, #tpu.memory_space<smem>>) dst(%arg7 : memref<16xf32, #tpu.memory_space<hbm>>)
    } else {
    }
    return
  }
}

module attributes {stable_mosaic.version = 14 : i64} {
  func.func @_tc_body(%arg0: i32, %arg1: memref<2048x128xf32, #tpu.memory_space<vmem>>, %arg2: memref<2048x128xf32, #tpu.memory_space<vmem>>, %arg3: memref<2048x128xf32, #tpu.memory_space<vmem>>, %arg4: memref<8x2048xi32, #tpu.memory_space<vmem>>, %arg5: memref<128x128xf32, #tpu.memory_space<vmem>>, %arg6: memref<128x128xf32, #tpu.memory_space<vmem>>, %arg7: memref<128x128xf32, #tpu.memory_space<vmem>>, %arg8: memref<128x128xf32, #tpu.memory_space<vmem>>, %arg9: memref<128x128xf32, #tpu.memory_space<vmem>>, %arg10: memref<128x128xf32, #tpu.memory_space<vmem>>, %arg11: memref<128x128xf32, #tpu.memory_space<vmem>>, %arg12: memref<128x128xf32, #tpu.memory_space<vmem>>, %arg13: memref<128x128xf32, #tpu.memory_space<vmem>>, %arg14: memref<128x128xf32, #tpu.memory_space<vmem>>, %arg15: memref<128x2048xf32, #tpu.memory_space<vmem>>, %arg16: memref<128x2048xf32, #tpu.memory_space<vmem>>, %arg17: memref<128x2048xf32, #tpu.memory_space<vmem>>, %arg18: memref<128x2048xf32, #tpu.memory_space<vmem>>, %arg19: memref<128x2048xf32, #tpu.memory_space<vmem>>, %arg20: memref<128x2048xf32, #tpu.memory_space<vmem>>, %arg21: memref<128x2048xf32, #tpu.memory_space<vmem>>, %arg22: memref<128x2048xf32, #tpu.memory_space<vmem>>, %arg23: memref<24x128xf32, #tpu.memory_space<vmem>>, %arg24: memref<2048x128xbf16, #tpu.memory_space<vmem>>, %arg25: memref<2048x128xbf16, #tpu.memory_space<vmem>>, %arg26: memref<2048x128xbf16, #tpu.memory_space<vmem>>, %arg27: memref<2048x128xbf16, #tpu.memory_space<vmem>>, %arg28: memref<2048x128xbf16, #tpu.memory_space<vmem>>, %arg29: memref<2048x128xbf16, #tpu.memory_space<vmem>>, %arg30: memref<2048x128xbf16, #tpu.memory_space<vmem>>, %arg31: memref<8x128xf32, #tpu.memory_space<vmem>>, %arg32: memref<8x128xf32, #tpu.memory_space<vmem>>, %arg33: memref<8x128xf32, #tpu.memory_space<vmem>>) attributes {dimension_semantics = [#tpu.dimension_semantics<arbitrary>], iteration_bounds = array<i64: 16>, scalar_prefetch = 0 : i64, scratch_operands = 10 : i64, tpu.core_type = #tpu.core_type<tc>, window_params = [{pipeline_mode = #tpu.pipeline_mode<synchronous>, transform_indices = @transform_0, window_bounds = array<i64: 2048, 128>}, {pipeline_mode = #tpu.pipeline_mode<synchronous>, transform_indices = @transform_1, window_bounds = array<i64: 2048, 128>}, {pipeline_mode = #tpu.pipeline_mode<synchronous>, transform_indices = @transform_2, window_bounds = array<i64: 2048, 128>}, {pipeline_mode = #tpu.pipeline_mode<synchronous>, transform_indices = @transform_3, window_bounds = array<i64: 8, 2048>}, {pipeline_mode = #tpu.pipeline_mode<synchronous>, transform_indices = @transform_4, window_bounds = array<i64: 128, 128>}, {pipeline_mode = #tpu.pipeline_mode<synchronous>, transform_indices = @transform_5, window_bounds = array<i64: 128, 128>}, {pipeline_mode = #tpu.pipeline_mode<synchronous>, transform_indices = @transform_6, window_bounds = array<i64: 128, 128>}, {pipeline_mode = #tpu.pipeline_mode<synchronous>, transform_indices = @transform_7, window_bounds = array<i64: 128, 128>}, {pipeline_mode = #tpu.pipeline_mode<synchronous>, transform_indices = @transform_8, window_bounds = array<i64: 128, 128>}, {pipeline_mode = #tpu.pipeline_mode<synchronous>, transform_indices = @transform_9, window_bounds = array<i64: 128, 128>}, {pipeline_mode = #tpu.pipeline_mode<synchronous>, transform_indices = @transform_10, window_bounds = array<i64: 128, 128>}, {pipeline_mode = #tpu.pipeline_mode<synchronous>, transform_indices = @transform_11, window_bounds = array<i64: 128, 128>}, {pipeline_mode = #tpu.pipeline_mode<synchronous>, transform_indices = @transform_12, window_bounds = array<i64: 128, 128>}, {pipeline_mode = #tpu.pipeline_mode<synchronous>, transform_indices = @transform_13, window_bounds = array<i64: 128, 128>}, {transform_indices = @transform_14, window_bounds = array<i64: 128, 2048>}, {transform_indices = @transform_15, window_bounds = array<i64: 128, 2048>}, {transform_indices = @transform_16, window_bounds = array<i64: 128, 2048>}, {transform_indices = @transform_17, window_bounds = array<i64: 128, 2048>}, {transform_indices = @transform_18, window_bounds = array<i64: 128, 2048>}, {transform_indices = @transform_19, window_bounds = array<i64: 128, 2048>}, {transform_indices = @transform_20, window_bounds = array<i64: 128, 2048>}, {transform_indices = @transform_21, window_bounds = array<i64: 128, 2048>}, {pipeline_mode = #tpu.pipeline_mode<synchronous>, transform_indices = @transform_22, window_bounds = array<i64: 24, 128>}]} {
    %eq3A = arith.constant 0 : i32
    %eq3A_0 = arith.cmpi eq, %arg0, %eq3A : i32
    %convert_element_type3A = arith.extui %eq3A_0 : i1 to i32
    %cond3A = arith.constant 0 : i32
    %cond3A_1 = arith.cmpi ne, %convert_element_type3A, %cond3A : i32
    scf.if %cond3A_1 {
      %get3A_144 = arith.constant 0 : index
      %get3A_145 = arith.constant 0 : index
      %get3A_146 = vector.load %arg1[%get3A_144, %get3A_145] : memref<2048x128xf32, #tpu.memory_space<vmem>>, vector<2048x128xf32>
      %convert_element_type3A_147 = arith.truncf %get3A_146 : vector<2048x128xf32> to vector<2048x128xbf16>
      %get3A_148 = arith.constant 0 : index
      %get3A_149 = arith.constant 0 : index
      %get3A_150 = vector.load %arg2[%get3A_148, %get3A_149] : memref<2048x128xf32, #tpu.memory_space<vmem>>, vector<2048x128xf32>
      %convert_element_type3A_151 = arith.truncf %get3A_150 : vector<2048x128xf32> to vector<2048x128xbf16>
      %get3A_152 = arith.constant 0 : index
      %get3A_153 = arith.constant 0 : index
      %get3A_154 = vector.load %arg3[%get3A_152, %get3A_153] : memref<2048x128xf32, #tpu.memory_space<vmem>>, vector<2048x128xf32>
      %convert_element_type3A_155 = arith.truncf %get3A_154 : vector<2048x128xf32> to vector<2048x128xbf16>
      %get3A_156 = arith.constant 0 : index
      %get3A_157 = arith.constant 0 : index
      %get3A_158 = vector.load %arg5[%get3A_156, %get3A_157] : memref<128x128xf32, #tpu.memory_space<vmem>>, vector<128x128xf32>
      %convert_element_type3A_159 = arith.truncf %get3A_158 : vector<128x128xf32> to vector<128x128xbf16>
      %dot_general3A_160 = arith.constant dense<0.000000e+00> : vector<2048x128xf32>
      %dot_general3A_161 = tpu.matmul %convert_element_type3A_147, %convert_element_type3A_159, %dot_general3A_160 {dimension_numbers = #tpu.dot_dimension_numbers<[1], [0], [0], [1], [0, 0, 1, 1], [], []>, transpose_lhs_hint = false} : vector<2048x128xbf16>, vector<128x128xbf16>, vector<2048x128xf32> -> vector<2048x128xf32>
      %convert_element_type3A_162 = arith.truncf %dot_general3A_161 : vector<2048x128xf32> to vector<2048x128xbf16>
      %swap3A_163 = arith.constant 0 : index
      %swap3A_164 = arith.constant 0 : index
      %swap3A_165 = vector.load %arg24[%swap3A_163, %swap3A_164] : memref<2048x128xbf16, #tpu.memory_space<vmem>>, vector<2048x128xbf16>
      tpu.vector_store %arg24[%swap3A_163, %swap3A_164], %convert_element_type3A_162 {strides = array<i32>} : memref<2048x128xbf16, #tpu.memory_space<vmem>>, vector<2048x128xbf16>,
      %get3A_166 = arith.constant 0 : index
      %get3A_167 = arith.constant 0 : index
      %get3A_168 = vector.load %arg6[%get3A_166, %get3A_167] : memref<128x128xf32, #tpu.memory_space<vmem>>, vector<128x128xf32>
      %convert_element_type3A_169 = arith.truncf %get3A_168 : vector<128x128xf32> to vector<128x128xbf16>
      %dot_general3A_170 = arith.constant dense<0.000000e+00> : vector<2048x128xf32>
      %dot_general3A_171 = tpu.matmul %convert_element_type3A_151, %convert_element_type3A_169, %dot_general3A_170 {dimension_numbers = #tpu.dot_dimension_numbers<[1], [0], [0], [1], [0, 0, 1, 1], [], []>, transpose_lhs_hint = false} : vector<2048x128xbf16>, vector<128x128xbf16>, vector<2048x128xf32> -> vector<2048x128xf32>
      %convert_element_type3A_172 = arith.truncf %dot_general3A_171 : vector<2048x128xf32> to vector<2048x128xbf16>
      %swap3A_173 = arith.constant 0 : index
      %swap3A_174 = arith.constant 0 : index
      %swap3A_175 = vector.load %arg25[%swap3A_173, %swap3A_174] : memref<2048x128xbf16, #tpu.memory_space<vmem>>, vector<2048x128xbf16>
      tpu.vector_store %arg25[%swap3A_173, %swap3A_174], %convert_element_type3A_172 {strides = array<i32>} : memref<2048x128xbf16, #tpu.memory_space<vmem>>, vector<2048x128xbf16>,
      %get3A_176 = arith.constant 0 : index
      %get3A_177 = arith.constant 0 : index
      %get3A_178 = vector.load %arg7[%get3A_176, %get3A_177] : memref<128x128xf32, #tpu.memory_space<vmem>>, vector<128x128xf32>
      %convert_element_type3A_179 = arith.truncf %get3A_178 : vector<128x128xf32> to vector<128x128xbf16>
      %dot_general3A_180 = arith.constant dense<0.000000e+00> : vector<2048x128xf32>
      %dot_general3A_181 = tpu.matmul %convert_element_type3A_147, %convert_element_type3A_179, %dot_general3A_180 {dimension_numbers = #tpu.dot_dimension_numbers<[1], [0], [0], [1], [0, 0, 1, 1], [], []>, transpose_lhs_hint = false} : vector<2048x128xbf16>, vector<128x128xbf16>, vector<2048x128xf32> -> vector<2048x128xf32>
      %convert_element_type3A_182 = arith.truncf %dot_general3A_181 : vector<2048x128xf32> to vector<2048x128xbf16>
      %swap3A_183 = arith.constant 0 : index
      %swap3A_184 = arith.constant 0 : index
      %swap3A_185 = vector.load %arg26[%swap3A_183, %swap3A_184] : memref<2048x128xbf16, #tpu.memory_space<vmem>>, vector<2048x128xbf16>
      tpu.vector_store %arg26[%swap3A_183, %swap3A_184], %convert_element_type3A_182 {strides = array<i32>} : memref<2048x128xbf16, #tpu.memory_space<vmem>>, vector<2048x128xbf16>,
      %get3A_186 = arith.constant 0 : index
      %get3A_187 = arith.constant 0 : index
      %get3A_188 = vector.load %arg8[%get3A_186, %get3A_187] : memref<128x128xf32, #tpu.memory_space<vmem>>, vector<128x128xf32>
      %convert_element_type3A_189 = arith.truncf %get3A_188 : vector<128x128xf32> to vector<128x128xbf16>
      %dot_general3A_190 = arith.constant dense<0.000000e+00> : vector<2048x128xf32>
      %dot_general3A_191 = tpu.matmul %convert_element_type3A_151, %convert_element_type3A_189, %dot_general3A_190 {dimension_numbers = #tpu.dot_dimension_numbers<[1], [0], [0], [1], [0, 0, 1, 1], [], []>, transpose_lhs_hint = false} : vector<2048x128xbf16>, vector<128x128xbf16>, vector<2048x128xf32> -> vector<2048x128xf32>
      %convert_element_type3A_192 = arith.truncf %dot_general3A_191 : vector<2048x128xf32> to vector<2048x128xbf16>
      %swap3A_193 = arith.constant 0 : index
      %swap3A_194 = arith.constant 0 : index
      %swap3A_195 = vector.load %arg27[%swap3A_193, %swap3A_194] : memref<2048x128xbf16, #tpu.memory_space<vmem>>, vector<2048x128xbf16>
      tpu.vector_store %arg27[%swap3A_193, %swap3A_194], %convert_element_type3A_192 {strides = array<i32>} : memref<2048x128xbf16, #tpu.memory_space<vmem>>, vector<2048x128xbf16>,
      %get3A_196 = arith.constant 0 : index
      %get3A_197 = arith.constant 0 : index
      %get3A_198 = vector.load %arg9[%get3A_196, %get3A_197] : memref<128x128xf32, #tpu.memory_space<vmem>>, vector<128x128xf32>
      %convert_element_type3A_199 = arith.truncf %get3A_198 : vector<128x128xf32> to vector<128x128xbf16>
      %dot_general3A_200 = arith.constant dense<0.000000e+00> : vector<2048x128xf32>
      %dot_general3A_201 = tpu.matmul %convert_element_type3A_155, %convert_element_type3A_199, %dot_general3A_200 {dimension_numbers = #tpu.dot_dimension_numbers<[1], [0], [0], [1], [0, 0, 1, 1], [], []>, transpose_lhs_hint = false} : vector<2048x128xbf16>, vector<128x128xbf16>, vector<2048x128xf32> -> vector<2048x128xf32>
      %convert_element_type3A_202 = arith.truncf %dot_general3A_201 : vector<2048x128xf32> to vector<2048x128xbf16>
      %swap3A_203 = arith.constant 0 : index
      %swap3A_204 = arith.constant 0 : index
      %swap3A_205 = vector.load %arg28[%swap3A_203, %swap3A_204] : memref<2048x128xbf16, #tpu.memory_space<vmem>>, vector<2048x128xbf16>
      tpu.vector_store %arg28[%swap3A_203, %swap3A_204], %convert_element_type3A_202 {strides = array<i32>} : memref<2048x128xbf16, #tpu.memory_space<vmem>>, vector<2048x128xbf16>,
      %get3A_206 = arith.constant 0 : index
      %get3A_207 = arith.constant 0 : index
      %get3A_208 = vector.load %arg10[%get3A_206, %get3A_207] : memref<128x128xf32, #tpu.memory_space<vmem>>, vector<128x128xf32>
      %convert_element_type3A_209 = arith.truncf %get3A_208 : vector<128x128xf32> to vector<128x128xbf16>
      %dot_general3A_210 = arith.constant dense<0.000000e+00> : vector<2048x128xf32>
      %dot_general3A_211 = tpu.matmul %convert_element_type3A_151, %convert_element_type3A_209, %dot_general3A_210 {dimension_numbers = #tpu.dot_dimension_numbers<[1], [0], [0], [1], [0, 0, 1, 1], [], []>, transpose_lhs_hint = false} : vector<2048x128xbf16>, vector<128x128xbf16>, vector<2048x128xf32> -> vector<2048x128xf32>
      %convert_element_type3A_212 = arith.truncf %dot_general3A_211 : vector<2048x128xf32> to vector<2048x128xbf16>
      %swap3A_213 = arith.constant 0 : index
      %swap3A_214 = arith.constant 0 : index
      %swap3A_215 = vector.load %arg29[%swap3A_213, %swap3A_214] : memref<2048x128xbf16, #tpu.memory_space<vmem>>, vector<2048x128xbf16>
      tpu.vector_store %arg29[%swap3A_213, %swap3A_214], %convert_element_type3A_212 {strides = array<i32>} : memref<2048x128xbf16, #tpu.memory_space<vmem>>, vector<2048x128xbf16>,
      %get3A_216 = arith.constant 0 : index
      %get3A_217 = arith.constant 0 : index
      %get3A_218 = vector.load %arg11[%get3A_216, %get3A_217] : memref<128x128xf32, #tpu.memory_space<vmem>>, vector<128x128xf32>
      %convert_element_type3A_219 = arith.truncf %get3A_218 : vector<128x128xf32> to vector<128x128xbf16>
      %dot_general3A_220 = arith.constant dense<0.000000e+00> : vector<2048x128xf32>
      %dot_general3A_221 = tpu.matmul %convert_element_type3A_155, %convert_element_type3A_219, %dot_general3A_220 {dimension_numbers = #tpu.dot_dimension_numbers<[1], [0], [0], [1], [0, 0, 1, 1], [], []>, transpose_lhs_hint = false} : vector<2048x128xbf16>, vector<128x128xbf16>, vector<2048x128xf32> -> vector<2048x128xf32>
      %convert_element_type3A_222 = arith.truncf %dot_general3A_221 : vector<2048x128xf32> to vector<2048x128xbf16>
      %swap3A_223 = arith.constant 0 : index
      %swap3A_224 = arith.constant 0 : index
      %swap3A_225 = vector.load %arg30[%swap3A_223, %swap3A_224] : memref<2048x128xbf16, #tpu.memory_space<vmem>>, vector<2048x128xbf16>
      tpu.vector_store %arg30[%swap3A_223, %swap3A_224], %convert_element_type3A_222 {strides = array<i32>} : memref<2048x128xbf16, #tpu.memory_space<vmem>>, vector<2048x128xbf16>,
      %broadcast_in_dim3A = arith.constant 0.000000e+00 : f32
      %broadcast_in_dim3A_226 = vector.broadcast %broadcast_in_dim3A : f32 to vector<8x128xf32>
      %swap3A_227 = arith.constant 0 : index
      %swap3A_228 = arith.constant 0 : index
      %swap3A_229 = vector.load %arg31[%swap3A_227, %swap3A_228] : memref<8x128xf32, #tpu.memory_space<vmem>>, vector<8x128xf32>
      tpu.vector_store %arg31[%swap3A_227, %swap3A_228], %broadcast_in_dim3A_226 {strides = array<i32>} : memref<8x128xf32, #tpu.memory_space<vmem>>, vector<8x128xf32>,
      %broadcast_in_dim3A_230 = arith.constant 0.000000e+00 : f32
      %broadcast_in_dim3A_231 = vector.broadcast %broadcast_in_dim3A_230 : f32 to vector<8x128xf32>
      %swap3A_232 = arith.constant 0 : index
      %swap3A_233 = arith.constant 0 : index
      %swap3A_234 = vector.load %arg32[%swap3A_232, %swap3A_233] : memref<8x128xf32, #tpu.memory_space<vmem>>, vector<8x128xf32>
      tpu.vector_store %arg32[%swap3A_232, %swap3A_233], %broadcast_in_dim3A_231 {strides = array<i32>} : memref<8x128xf32, #tpu.memory_space<vmem>>, vector<8x128xf32>,
      %broadcast_in_dim3A_235 = arith.constant 0.000000e+00 : f32
      %broadcast_in_dim3A_236 = vector.broadcast %broadcast_in_dim3A_235 : f32 to vector<8x128xf32>
      %swap3A_237 = arith.constant 0 : index
      %swap3A_238 = arith.constant 0 : index
      %swap3A_239 = vector.load %arg33[%swap3A_237, %swap3A_238] : memref<8x128xf32, #tpu.memory_space<vmem>>, vector<8x128xf32>
      tpu.vector_store %arg33[%swap3A_237, %swap3A_238], %broadcast_in_dim3A_236 {strides = array<i32>} : memref<8x128xf32, #tpu.memory_space<vmem>>, vector<8x128xf32>,
    } else {
    }
    %get3A = arith.constant 0 : index
    %get3A_2 = arith.constant 0 : index
    %get3A_3 = vector.load %arg15[%get3A, %get3A_2] : memref<128x2048xf32, #tpu.memory_space<vmem>>, vector<128x2048xf32>
    %convert_element_type3A_4 = arith.truncf %get3A_3 : vector<128x2048xf32> to vector<128x2048xbf16>
    %get3A_5 = arith.constant 0 : index
    %get3A_6 = arith.constant 0 : index
    %get3A_7 = vector.load %arg24[%get3A_5, %get3A_6] : memref<2048x128xbf16, #tpu.memory_space<vmem>>, vector<2048x128xbf16>
    %dot_general3A = arith.constant dense<0.000000e+00> : vector<128x128xf32>
    %dot_general3A_8 = tpu.matmul %convert_element_type3A_4, %get3A_7, %dot_general3A {dimension_numbers = #tpu.dot_dimension_numbers<[1], [0], [0], [1], [0, 0, 1, 1], [], []>, transpose_lhs_hint = false} : vector<128x2048xbf16>, vector<2048x128xbf16>, vector<128x128xf32> -> vector<128x128xf32>
    %get3A_9 = arith.constant 0 : index
    %get3A_10 = arith.constant 0 : index
    %get3A_11 = vector.load %arg16[%get3A_9, %get3A_10] : memref<128x2048xf32, #tpu.memory_space<vmem>>, vector<128x2048xf32>
    %convert_element_type3A_12 = arith.truncf %get3A_11 : vector<128x2048xf32> to vector<128x2048xbf16>
    %get3A_13 = arith.constant 0 : index
    %get3A_14 = arith.constant 0 : index
    %get3A_15 = vector.load %arg25[%get3A_13, %get3A_14] : memref<2048x128xbf16, #tpu.memory_space<vmem>>, vector<2048x128xbf16>
    %dot_general3A_16 = arith.constant dense<0.000000e+00> : vector<128x128xf32>
    %dot_general3A_17 = tpu.matmul %convert_element_type3A_12, %get3A_15, %dot_general3A_16 {dimension_numbers = #tpu.dot_dimension_numbers<[1], [0], [0], [1], [0, 0, 1, 1], [], []>, transpose_lhs_hint = false} : vector<128x2048xbf16>, vector<2048x128xbf16>, vector<128x128xf32> -> vector<128x128xf32>
    %add3A = arith.addf %dot_general3A_8, %dot_general3A_17 : vector<128x128xf32>
    %logistic3A = arith.negf %add3A : vector<128x128xf32>
    %logistic3A_18 = math.exp %logistic3A : vector<128x128xf32>
    %logistic3A_19 = arith.constant 1.000000e+00 : f32
    %logistic3A_20 = vector.broadcast %logistic3A_19 : f32 to vector<128x128xf32>
    %logistic3A_21 = arith.addf %logistic3A_20, %logistic3A_18 : vector<128x128xf32>
    %logistic3A_22 = arith.divf %logistic3A_20, %logistic3A_21 : vector<128x128xf32>
    %get3A_23 = arith.constant 0 : index
    %get3A_24 = arith.constant 0 : index
    %get3A_25 = vector.load %arg17[%get3A_23, %get3A_24] : memref<128x2048xf32, #tpu.memory_space<vmem>>, vector<128x2048xf32>
    %convert_element_type3A_26 = arith.truncf %get3A_25 : vector<128x2048xf32> to vector<128x2048xbf16>
    %get3A_27 = arith.constant 0 : index
    %get3A_28 = arith.constant 0 : index
    %get3A_29 = vector.load %arg26[%get3A_27, %get3A_28] : memref<2048x128xbf16, #tpu.memory_space<vmem>>, vector<2048x128xbf16>
    %dot_general3A_30 = arith.constant dense<0.000000e+00> : vector<128x128xf32>
    %dot_general3A_31 = tpu.matmul %convert_element_type3A_26, %get3A_29, %dot_general3A_30 {dimension_numbers = #tpu.dot_dimension_numbers<[1], [0], [0], [1], [0, 0, 1, 1], [], []>, transpose_lhs_hint = false} : vector<128x2048xbf16>, vector<2048x128xbf16>, vector<128x128xf32> -> vector<128x128xf32>
    %get3A_32 = arith.constant 0 : index
    %get3A_33 = arith.constant 0 : index
    %get3A_34 = vector.load %arg18[%get3A_32, %get3A_33] : memref<128x2048xf32, #tpu.memory_space<vmem>>, vector<128x2048xf32>
    %get3A_35 = arith.constant 0 : index
    %get3A_36 = arith.constant 0 : index
    %get3A_37 = vector.load %arg19[%get3A_35, %get3A_36] : memref<128x2048xf32, #tpu.memory_space<vmem>>, vector<128x2048xf32>
    %add3A_38 = arith.addf %get3A_34, %get3A_37 : vector<128x2048xf32>
    %convert_element_type3A_39 = arith.truncf %add3A_38 : vector<128x2048xf32> to vector<128x2048xbf16>
    %get3A_40 = arith.constant 0 : index
    %get3A_41 = arith.constant 0 : index
    %get3A_42 = vector.load %arg27[%get3A_40, %get3A_41] : memref<2048x128xbf16, #tpu.memory_space<vmem>>, vector<2048x128xbf16>
    %dot_general3A_43 = arith.constant dense<0.000000e+00> : vector<128x128xf32>
    %dot_general3A_44 = tpu.matmul %convert_element_type3A_39, %get3A_42, %dot_general3A_43 {dimension_numbers = #tpu.dot_dimension_numbers<[1], [0], [0], [1], [0, 0, 1, 1], [], []>, transpose_lhs_hint = false} : vector<128x2048xbf16>, vector<2048x128xbf16>, vector<128x128xf32> -> vector<128x128xf32>
    %add3A_45 = arith.addf %dot_general3A_31, %dot_general3A_44 : vector<128x128xf32>
    %get3A_46 = arith.constant 0 : index
    %get3A_47 = arith.constant 0 : index
    %get3A_48 = vector.load %arg20[%get3A_46, %get3A_47] : memref<128x2048xf32, #tpu.memory_space<vmem>>, vector<128x2048xf32>
    %convert_element_type3A_49 = arith.truncf %get3A_48 : vector<128x2048xf32> to vector<128x2048xbf16>
    %get3A_50 = arith.constant 0 : index
    %get3A_51 = arith.constant 0 : index
    %get3A_52 = vector.load %arg28[%get3A_50, %get3A_51] : memref<2048x128xbf16, #tpu.memory_space<vmem>>, vector<2048x128xbf16>
    %dot_general3A_53 = arith.constant dense<0.000000e+00> : vector<128x128xf32>
    %dot_general3A_54 = tpu.matmul %convert_element_type3A_49, %get3A_52, %dot_general3A_53 {dimension_numbers = #tpu.dot_dimension_numbers<[1], [0], [0], [1], [0, 0, 1, 1], [], []>, transpose_lhs_hint = false} : vector<128x2048xbf16>, vector<2048x128xbf16>, vector<128x128xf32> -> vector<128x128xf32>
    %add3A_55 = arith.addf %add3A_45, %dot_general3A_54 : vector<128x128xf32>
    %logistic3A_56 = arith.negf %add3A_55 : vector<128x128xf32>
    %logistic3A_57 = math.exp %logistic3A_56 : vector<128x128xf32>
    %logistic3A_58 = arith.constant 1.000000e+00 : f32
    %logistic3A_59 = vector.broadcast %logistic3A_58 : f32 to vector<128x128xf32>
    %logistic3A_60 = arith.addf %logistic3A_59, %logistic3A_57 : vector<128x128xf32>
    %logistic3A_61 = arith.divf %logistic3A_59, %logistic3A_60 : vector<128x128xf32>
    %get3A_62 = arith.constant 0 : index
    %get3A_63 = arith.constant 0 : index
    %get3A_64 = vector.load %arg21[%get3A_62, %get3A_63] : memref<128x2048xf32, #tpu.memory_space<vmem>>, vector<128x2048xf32>
    %convert_element_type3A_65 = arith.truncf %get3A_64 : vector<128x2048xf32> to vector<128x2048xbf16>
    %get3A_66 = arith.constant 0 : index
    %get3A_67 = arith.constant 0 : index
    %get3A_68 = vector.load %arg29[%get3A_66, %get3A_67] : memref<2048x128xbf16, #tpu.memory_space<vmem>>, vector<2048x128xbf16>
    %dot_general3A_69 = arith.constant dense<0.000000e+00> : vector<128x128xf32>
    %dot_general3A_70 = tpu.matmul %convert_element_type3A_65, %get3A_68, %dot_general3A_69 {dimension_numbers = #tpu.dot_dimension_numbers<[1], [0], [0], [1], [0, 0, 1, 1], [], []>, transpose_lhs_hint = false} : vector<128x2048xbf16>, vector<2048x128xbf16>, vector<128x128xf32> -> vector<128x128xf32>
    %get3A_71 = arith.constant 0 : index
    %get3A_72 = arith.constant 0 : index
    %get3A_73 = vector.load %arg22[%get3A_71, %get3A_72] : memref<128x2048xf32, #tpu.memory_space<vmem>>, vector<128x2048xf32>
    %convert_element_type3A_74 = arith.truncf %get3A_73 : vector<128x2048xf32> to vector<128x2048xbf16>
    %get3A_75 = arith.constant 0 : index
    %get3A_76 = arith.constant 0 : index
    %get3A_77 = vector.load %arg30[%get3A_75, %get3A_76] : memref<2048x128xbf16, #tpu.memory_space<vmem>>, vector<2048x128xbf16>
    %dot_general3A_78 = arith.constant dense<0.000000e+00> : vector<128x128xf32>
    %dot_general3A_79 = tpu.matmul %convert_element_type3A_74, %get3A_77, %dot_general3A_78 {dimension_numbers = #tpu.dot_dimension_numbers<[1], [0], [0], [1], [0, 0, 1, 1], [], []>, transpose_lhs_hint = false} : vector<128x2048xbf16>, vector<2048x128xbf16>, vector<128x128xf32> -> vector<128x128xf32>
    %add3A_80 = arith.addf %dot_general3A_70, %dot_general3A_79 : vector<128x128xf32>
    %logistic3A_81 = arith.negf %add3A_80 : vector<128x128xf32>
    %logistic3A_82 = math.exp %logistic3A_81 : vector<128x128xf32>
    %logistic3A_83 = arith.constant 1.000000e+00 : f32
    %logistic3A_84 = vector.broadcast %logistic3A_83 : f32 to vector<128x128xf32>
    %logistic3A_85 = arith.addf %logistic3A_84, %logistic3A_82 : vector<128x128xf32>
    %logistic3A_86 = arith.divf %logistic3A_84, %logistic3A_85 : vector<128x128xf32>
    %iota3A = tpu.iota {dimensions = array<i32: 0>} : vector<8x128xi32>
    %mul3A = arith.constant 128 : i32
    %mul3A_87 = arith.muli %arg0, %mul3A : i32
    %get3A_88 = arith.constant 0 : index
    %get3A_89 = arith.index_cast %mul3A_87 : i32 to index
    %get3A_90 = vector.load %arg4[%get3A_88, %get3A_89] : memref<8x2048xi32, #tpu.memory_space<vmem>>, vector<1x128xi32>
    %eq3A_91 = vector.broadcast %get3A_90 : vector<1x128xi32> to vector<8x128xi32>
    %eq3A_92 = arith.cmpi eq, %iota3A, %eq3A_91 : vector<8x128xi32>
    %convert_element_type3A_93 = arith.extui %eq3A_92 : vector<8x128xi1> to vector<8x128xi32>
    %convert_element_type3A_94 = arith.sitofp %convert_element_type3A_93 : vector<8x128xi32> to vector<8x128xf32>
    %mul3A_95 = arith.constant 128 : i32
    %mul3A_96 = arith.muli %arg0, %mul3A_95 : i32
    %get3A_97 = arith.constant 1 : index
    %get3A_98 = arith.index_cast %mul3A_96 : i32 to index
    %get3A_99 = vector.load %arg4[%get3A_97, %get3A_98] : memref<8x2048xi32, #tpu.memory_space<vmem>>, vector<1x128xi32>
    %eq3A_100 = vector.broadcast %get3A_99 : vector<1x128xi32> to vector<8x128xi32>
    %eq3A_101 = arith.cmpi eq, %iota3A, %eq3A_100 : vector<8x128xi32>
    %convert_element_type3A_102 = arith.extui %eq3A_101 : vector<8x128xi1> to vector<8x128xi32>
    %convert_element_type3A_103 = arith.sitofp %convert_element_type3A_102 : vector<8x128xi32> to vector<8x128xf32>
    %mul3A_104 = arith.constant 128 : i32
    %mul3A_105 = arith.muli %arg0, %mul3A_104 : i32
    %get3A_106 = arith.constant 2 : index
    %get3A_107 = arith.index_cast %mul3A_105 : i32 to index
    %get3A_108 = vector.load %arg4[%get3A_106, %get3A_107] : memref<8x2048xi32, #tpu.memory_space<vmem>>, vector<1x128xi32>
    %eq3A_109 = vector.broadcast %get3A_108 : vector<1x128xi32> to vector<8x128xi32>
    %eq3A_110 = arith.cmpi eq, %iota3A, %eq3A_109 : vector<8x128xi32>
    %convert_element_type3A_111 = arith.extui %eq3A_110 : vector<8x128xi1> to vector<8x128xi32>
    %convert_element_type3A_112 = arith.sitofp %convert_element_type3A_111 : vector<8x128xi32> to vector<8x128xf32>
    %get3A_113 = arith.constant 0 : index
    %get3A_114 = arith.constant 0 : index
    %get3A_115 = vector.load %arg31[%get3A_113, %get3A_114] : memref<8x128xf32, #tpu.memory_space<vmem>>, vector<8x128xf32>
    %dot_general3A_116 = arith.constant dense<0.000000e+00> : vector<8x128xf32>
    %dot_general3A_117 = tpu.matmul %convert_element_type3A_94, %logistic3A_22, %dot_general3A_116 {dimension_numbers = #tpu.dot_dimension_numbers<[1], [0], [0], [1], [0, 0, 1, 1], [], []>, transpose_lhs_hint = false} : vector<8x128xf32>, vector<128x128xf32>, vector<8x128xf32> -> vector<8x128xf32>
    %add3A_118 = arith.addf %get3A_115, %dot_general3A_117 : vector<8x128xf32>
    %swap3A = arith.constant 0 : index
    %swap3A_119 = arith.constant 0 : index
    %swap3A_120 = vector.load %arg31[%swap3A, %swap3A_119] : memref<8x128xf32, #tpu.memory_space<vmem>>, vector<8x128xf32>
    tpu.vector_store %arg31[%swap3A, %swap3A_119], %add3A_118 {strides = array<i32>} : memref<8x128xf32, #tpu.memory_space<vmem>>, vector<8x128xf32>,
    %get3A_121 = arith.constant 0 : index
    %get3A_122 = arith.constant 0 : index
    %get3A_123 = vector.load %arg32[%get3A_121, %get3A_122] : memref<8x128xf32, #tpu.memory_space<vmem>>, vector<8x128xf32>
    %dot_general3A_124 = arith.constant dense<0.000000e+00> : vector<8x128xf32>
    %dot_general3A_125 = tpu.matmul %convert_element_type3A_103, %logistic3A_61, %dot_general3A_124 {dimension_numbers = #tpu.dot_dimension_numbers<[1], [0], [0], [1], [0, 0, 1, 1], [], []>, transpose_lhs_hint = false} : vector<8x128xf32>, vector<128x128xf32>, vector<8x128xf32> -> vector<8x128xf32>
    %add3A_126 = arith.addf %get3A_123, %dot_general3A_125 : vector<8x128xf32>
    %swap3A_127 = arith.constant 0 : index
    %swap3A_128 = arith.constant 0 : index
    %swap3A_129 = vector.load %arg32[%swap3A_127, %swap3A_128] : memref<8x128xf32, #tpu.memory_space<vmem>>, vector<8x128xf32>
    tpu.vector_store %arg32[%swap3A_127, %swap3A_128], %add3A_126 {strides = array<i32>} : memref<8x128xf32, #tpu.memory_space<vmem>>, vector<8x128xf32>,
    %get3A_130 = arith.constant 0 : index
    %get3A_131 = arith.constant 0 : index
    %get3A_132 = vector.load %arg33[%get3A_130, %get3A_131] : memref<8x128xf32, #tpu.memory_space<vmem>>, vector<8x128xf32>
    %dot_general3A_133 = arith.constant dense<0.000000e+00> : vector<8x128xf32>
    %dot_general3A_134 = tpu.matmul %convert_element_type3A_112, %logistic3A_86, %dot_general3A_133 {dimension_numbers = #tpu.dot_dimension_numbers<[1], [0], [0], [1], [0, 0, 1, 1], [], []>, transpose_lhs_hint = false} : vector<8x128xf32>, vector<128x128xf32>, vector<8x128xf32> -> vector<8x128xf32>
    %add3A_135 = arith.addf %get3A_132, %dot_general3A_134 : vector<8x128xf32>
    %swap3A_136 = arith.constant 0 : index
    %swap3A_137 = arith.constant 0 : index
    %swap3A_138 = vector.load %arg33[%swap3A_136, %swap3A_137] : memref<8x128xf32, #tpu.memory_space<vmem>>, vector<8x128xf32>
    tpu.vector_store %arg33[%swap3A_136, %swap3A_137], %add3A_135 {strides = array<i32>} : memref<8x128xf32, #tpu.memory_space<vmem>>, vector<8x128xf32>,
    %eq3A_139 = arith.constant 15 : i32
    %eq3A_140 = arith.cmpi eq, %arg0, %eq3A_139 : i32
    %convert_element_type3A_141 = arith.extui %eq3A_140 : i1 to i32
    %cond3A_142 = arith.constant 0 : i32
    %cond3A_143 = arith.cmpi ne, %convert_element_type3A_141, %cond3A_142 : i32
    scf.if %cond3A_143 {
      %get3A_144 = arith.constant 0 : index
      %get3A_145 = arith.constant 0 : index
      %get3A_146 = vector.load %arg31[%get3A_144, %get3A_145] : memref<8x128xf32, #tpu.memory_space<vmem>>, vector<8x128xf32>
      %get3A_147 = arith.constant 0 : index
      %get3A_148 = arith.constant 0 : index
      %get3A_149 = vector.load %arg12[%get3A_147, %get3A_148] : memref<128x128xf32, #tpu.memory_space<vmem>>, vector<128x128xf32>
      %dot_general3A_150 = arith.constant dense<0.000000e+00> : vector<8x128xf32>
      %dot_general3A_151 = tpu.matmul %get3A_146, %get3A_149, %dot_general3A_150 {dimension_numbers = #tpu.dot_dimension_numbers<[1], [0], [0], [1], [0, 0, 1, 1], [], []>, transpose_lhs_hint = false} : vector<8x128xf32>, vector<128x128xf32>, vector<8x128xf32> -> vector<8x128xf32>
      %swap3A_152 = arith.constant 0 : index
      %swap3A_153 = arith.constant 0 : index
      %swap3A_154 = vector.load %arg23[%swap3A_152, %swap3A_153] : memref<24x128xf32, #tpu.memory_space<vmem>>, vector<8x128xf32>
      tpu.vector_store %arg23[%swap3A_152, %swap3A_153], %dot_general3A_151 {strides = array<i32>} : memref<24x128xf32, #tpu.memory_space<vmem>>, vector<8x128xf32>,
      %get3A_155 = arith.constant 0 : index
      %get3A_156 = arith.constant 0 : index
      %get3A_157 = vector.load %arg32[%get3A_155, %get3A_156] : memref<8x128xf32, #tpu.memory_space<vmem>>, vector<8x128xf32>
      %get3A_158 = arith.constant 0 : index
      %get3A_159 = arith.constant 0 : index
      %get3A_160 = vector.load %arg13[%get3A_158, %get3A_159] : memref<128x128xf32, #tpu.memory_space<vmem>>, vector<128x128xf32>
      %dot_general3A_161 = arith.constant dense<0.000000e+00> : vector<8x128xf32>
      %dot_general3A_162 = tpu.matmul %get3A_157, %get3A_160, %dot_general3A_161 {dimension_numbers = #tpu.dot_dimension_numbers<[1], [0], [0], [1], [0, 0, 1, 1], [], []>, transpose_lhs_hint = false} : vector<8x128xf32>, vector<128x128xf32>, vector<8x128xf32> -> vector<8x128xf32>
      %swap3A_163 = arith.constant 8 : index
      %swap3A_164 = arith.constant 0 : index
      %swap3A_165 = vector.load %arg23[%swap3A_163, %swap3A_164] : memref<24x128xf32, #tpu.memory_space<vmem>>, vector<8x128xf32>
      tpu.vector_store %arg23[%swap3A_163, %swap3A_164], %dot_general3A_162 {strides = array<i32>} : memref<24x128xf32, #tpu.memory_space<vmem>>, vector<8x128xf32>,
      %get3A_166 = arith.constant 0 : index
      %get3A_167 = arith.constant 0 : index
      %get3A_168 = vector.load %arg33[%get3A_166, %get3A_167] : memref<8x128xf32, #tpu.memory_space<vmem>>, vector<8x128xf32>
      %get3A_169 = arith.constant 0 : index
      %get3A_170 = arith.constant 0 : index
      %get3A_171 = vector.load %arg14[%get3A_169, %get3A_170] : memref<128x128xf32, #tpu.memory_space<vmem>>, vector<128x128xf32>
      %dot_general3A_172 = arith.constant dense<0.000000e+00> : vector<8x128xf32>
      %dot_general3A_173 = tpu.matmul %get3A_168, %get3A_171, %dot_general3A_172 {dimension_numbers = #tpu.dot_dimension_numbers<[1], [0], [0], [1], [0, 0, 1, 1], [], []>, transpose_lhs_hint = false} : vector<8x128xf32>, vector<128x128xf32>, vector<8x128xf32> -> vector<8x128xf32>
      %swap3A_174 = arith.constant 16 : index
      %swap3A_175 = arith.constant 0 : index
      %swap3A_176 = vector.load %arg23[%swap3A_174, %swap3A_175] : memref<24x128xf32, #tpu.memory_space<vmem>>, vector<8x128xf32>
      tpu.vector_store %arg23[%swap3A_174, %swap3A_175], %dot_general3A_173 {strides = array<i32>} : memref<24x128xf32, #tpu.memory_space<vmem>>, vector<8x128xf32>,
    } else {
    }
    return
  }
  func.func @transform_0(%arg0: i32) -> (i32, i32) {
    %c0_i32 = arith.constant 0 : i32
    %c0_i32_0 = arith.constant 0 : i32
    %c0_i32_1 = arith.constant 0 : i32
    return %c0_i32, %c0_i32_0 : i32, i32
  }
  func.func @transform_1(%arg0: i32) -> (i32, i32) {
    %c0_i32 = arith.constant 0 : i32
    %c0_i32_0 = arith.constant 0 : i32
    %c0_i32_1 = arith.constant 0 : i32
    return %c0_i32, %c0_i32_0 : i32, i32
  }
  func.func @transform_2(%arg0: i32) -> (i32, i32) {
    %c0_i32 = arith.constant 0 : i32
    %c0_i32_0 = arith.constant 0 : i32
    %c0_i32_1 = arith.constant 0 : i32
    return %c0_i32, %c0_i32_0 : i32, i32
  }
  func.func @transform_3(%arg0: i32) -> (i32, i32) {
    %c0_i32 = arith.constant 0 : i32
    %c0_i32_0 = arith.constant 0 : i32
    %c0_i32_1 = arith.constant 0 : i32
    return %c0_i32, %c0_i32_0 : i32, i32
  }
  func.func @transform_4(%arg0: i32) -> (i32, i32) {
    %c0_i32 = arith.constant 0 : i32
    %c0_i32_0 = arith.constant 0 : i32
    %c0_i32_1 = arith.constant 0 : i32
    return %c0_i32, %c0_i32_0 : i32, i32
  }
  func.func @transform_5(%arg0: i32) -> (i32, i32) {
    %c0_i32 = arith.constant 0 : i32
    %c0_i32_0 = arith.constant 0 : i32
    %c0_i32_1 = arith.constant 0 : i32
    return %c0_i32, %c0_i32_0 : i32, i32
  }
  func.func @transform_6(%arg0: i32) -> (i32, i32) {
    %c0_i32 = arith.constant 0 : i32
    %c0_i32_0 = arith.constant 0 : i32
    %c0_i32_1 = arith.constant 0 : i32
    return %c0_i32, %c0_i32_0 : i32, i32
  }
  func.func @transform_7(%arg0: i32) -> (i32, i32) {
    %c0_i32 = arith.constant 0 : i32
    %c0_i32_0 = arith.constant 0 : i32
    %c0_i32_1 = arith.constant 0 : i32
    return %c0_i32, %c0_i32_0 : i32, i32
  }
  func.func @transform_8(%arg0: i32) -> (i32, i32) {
    %c0_i32 = arith.constant 0 : i32
    %c0_i32_0 = arith.constant 0 : i32
    %c0_i32_1 = arith.constant 0 : i32
    return %c0_i32, %c0_i32_0 : i32, i32
  }
  func.func @transform_9(%arg0: i32) -> (i32, i32) {
    %c0_i32 = arith.constant 0 : i32
    %c0_i32_0 = arith.constant 0 : i32
    %c0_i32_1 = arith.constant 0 : i32
    return %c0_i32, %c0_i32_0 : i32, i32
  }
  func.func @transform_10(%arg0: i32) -> (i32, i32) {
    %c0_i32 = arith.constant 0 : i32
    %c0_i32_0 = arith.constant 0 : i32
    %c0_i32_1 = arith.constant 0 : i32
    return %c0_i32, %c0_i32_0 : i32, i32
  }
  func.func @transform_11(%arg0: i32) -> (i32, i32) {
    %c0_i32 = arith.constant 0 : i32
    %c0_i32_0 = arith.constant 0 : i32
    %c0_i32_1 = arith.constant 0 : i32
    return %c0_i32, %c0_i32_0 : i32, i32
  }
  func.func @transform_12(%arg0: i32) -> (i32, i32) {
    %c0_i32 = arith.constant 0 : i32
    %c0_i32_0 = arith.constant 0 : i32
    %c0_i32_1 = arith.constant 0 : i32
    return %c0_i32, %c0_i32_0 : i32, i32
  }
  func.func @transform_13(%arg0: i32) -> (i32, i32) {
    %c0_i32 = arith.constant 0 : i32
    %c0_i32_0 = arith.constant 0 : i32
    %c0_i32_1 = arith.constant 0 : i32
    return %c0_i32, %c0_i32_0 : i32, i32
  }
  func.func @transform_14(%arg0: i32) -> (i32, i32) {
    %c0_i32 = arith.constant 0 : i32
    %c0_i32_0 = arith.constant 0 : i32
    return %arg0, %c0_i32 : i32, i32
  }
  func.func @transform_15(%arg0: i32) -> (i32, i32) {
    %c0_i32 = arith.constant 0 : i32
    %c0_i32_0 = arith.constant 0 : i32
    return %arg0, %c0_i32 : i32, i32
  }
  func.func @transform_16(%arg0: i32) -> (i32, i32) {
    %c0_i32 = arith.constant 0 : i32
    %c0_i32_0 = arith.constant 0 : i32
    return %arg0, %c0_i32 : i32, i32
  }
  func.func @transform_17(%arg0: i32) -> (i32, i32) {
    %c0_i32 = arith.constant 0 : i32
    %c0_i32_0 = arith.constant 0 : i32
    return %arg0, %c0_i32 : i32, i32
  }
  func.func @transform_18(%arg0: i32) -> (i32, i32) {
    %c0_i32 = arith.constant 0 : i32
    %c0_i32_0 = arith.constant 0 : i32
    return %arg0, %c0_i32 : i32, i32
  }
  func.func @transform_19(%arg0: i32) -> (i32, i32) {
    %c0_i32 = arith.constant 0 : i32
    %c0_i32_0 = arith.constant 0 : i32
    return %arg0, %c0_i32 : i32, i32
  }
  func.func @transform_20(%arg0: i32) -> (i32, i32) {
    %c0_i32 = arith.constant 0 : i32
    %c0_i32_0 = arith.constant 0 : i32
    return %arg0, %c0_i32 : i32, i32
  }
  func.func @transform_21(%arg0: i32) -> (i32, i32) {
    %c0_i32 = arith.constant 0 : i32
    %c0_i32_0 = arith.constant 0 : i32
    return %arg0, %c0_i32 : i32, i32
  }
  func.func @transform_22(%arg0: i32) -> (i32, i32) {
    %c0_i32 = arith.constant 0 : i32
    %c0_i32_0 = arith.constant 0 : i32
    %c0_i32_1 = arith.constant 0 : i32
    return %c0_i32, %c0_i32_0 : i32, i32
  }
}

</mosaic_0001>

<sc_bundles>
// kernel: kernel.4.cloned.1.call-start
scs
__scs_entry_jumppad:
0x0: {  	(pc) =	sbr.rel $0x88, $3  }
0x1: {  	(tag) =	ssettag $0x0;
	lr =	simm.s32 $0x1  }
0x2: {  	[smem:$0x3F88] =	sst lr;
	_ =	strace $0xD0000000  }
0x3: {  	_ = 	snop  }
0x4: {  	_ = 	snop  }
0x5: {  	_ = 	snop  }
0x6: {  	_ = 	snop  }
0x7: {  	_ = 	snop  }
__scs_overlays_trampoline_lowered:
0x8: {  	[smem:$0x3F97] =	sst s0  }
0x9: {  	[smem:$0x3F98] =	sst s1  }
0xa: {  	[smem:$0x3F99] =	sst s2  }
0xb: {  	[smem:$0x3F9A] =	sst s3  }
0xc: {  	[smem:$0x3F9B] =	sst s4  }
0xd: {  	[smem:$0x3F9C] =	sst s5  }
0xe: {  	[smem:$0x3F9D] =	sst s6  }
0xf: {  	[smem:$0x3F9E] =	sst s7  }
0x10: {  	[smem:$0x3F9F] =	sst s8  }
0x11: {  	[smem:$0x3FA0] =	sst s9;
	s0 =	simm.s32 @!p0 $0x0  }
0x12: {  	s1 =	sld [smem:$0x3F86];
	s0 =	simm.s32 @p0 $0x1  }
0x13: {  	[smem:$0x3FA1] =	sst s0;
	s0 =	simm.s32 @!p1 $0x0  }
0x14: {  	s2 =	sld [smem:$0x3F85];
	s0 =	simm.s32 @p1 $0x1  }
0x15: {  	[smem:$0x3FA2] =	sst s0;
	s0 =	simm.s32 @!p2 $0x0  }
0x16: {  	s3 =	sld [smem:$0x3FDB];
	s0 =	simm.s32 @p2 $0x1  }
0x17: {  	s4 =	simm.s32 $0x1BF5;
	[smem:$0x3FA4] =	sst s0  }
0x18: {  	s0 =	sld [smem:$0x3F87];
	_ =	swait.ge [sflag:s4], $0x0  }
0x19: {  	s7 =	sld [smem:$0x3F88]  }
0x1a: {  	s8 =	sadd.s32 $0xFFFFE003, lr  }
0x1b: {  	s9 =	sadd.s32 $0xFFFFFEF7, lr;
	s5 =	simm.s32 $0xFFFFFFFF;
	p2 =	slt.u32 s8, $0xFFFFF086  }
0x1c: {  	p1 =	slt.u32 s9, $0xF7A;
	s5 =	simm.s32 @!p2 $0x0  }
0x1d: {  	s5 =	simm.s32 @p1 $0x1;
	p0 =	seq.s32 s7, s2  }
0x1e: {  	s7 =	smul.u32 @!p0 $0xF7A, s2;
	p2 =	seq.s32 @!p0 s5, $0x0  }
0x1f: {  	s9 =	smul.u32 $0xF7A, s1;
	s8 =	simm.s32 @!p0 $0x1BF5;
	p2 =	por !p2, p0  }
0x20: {  	[sflag:s8] =	ssyncset.s32 @!p0 $0xFFFFF086;
	s6 =	sadd.s32 @!p0 s3, s7;
	s7 =	simm.s32 @!p0 $0x108  }
0x21: {  	s3 =	sadd.s32 s3, s9;
	s6 =	sadd.s32 @!p0 $0x88, s6;
	s7 =	simm.s32 @p2 $0x1082  }
0x22: {  	[simem:s7], [sflag:s8] =	dma.local @!p0 [hbm:s6], $0xF7A  }
0x23: {  	s9 =	sor.u32 $0xD0000000, s2;
	s6 =	simm.s32 $0x108;
	_ =	swait.ge @!p0 [sflag:s8], $0x0  }
0x24: {  	s3 =	sadd.s32 $0x88, s3;
	s6 =	simm.s32 @!p1 $0x1082;
	[sflag:s4] =	ssyncset.s32 $0xFFFFF086  }
0x25: {  	[simem:s6], [sflag:s4] =	dma.local [hbm:s3], $0xF7A  }
0x26: {  	[smem:$0x3F88] =	sst s1;
	(tag) =	ssettag s2;
	_ =	strace s9  }
0x27: {  	s1 =	sld [smem:$0x3F98]  }
0x28: {  	s2 =	sld [smem:$0x3F99]  }
0x29: {  	s4 =	sld [smem:$0x3F9B]  }
0x2a: {  	p0 =	seq.s32 s5, $0x0;
	s5 =	sld [smem:$0x3F9C]  }
0x2b: {  	s6 =	sld [smem:$0x3F9D]  }
0x2c: {  	s7 =	sld [smem:$0x3F9E]  }
0x2d: {  	s3 =	simm.s32 $0x108;
	s8 =	sld [smem:$0x3F9F]  }
0x2e: {  	s3 =	simm.s32 @!p0 $0x1082;
	s9 =	sld [smem:$0x3FA0]  }
0x2f: {  	lr =	sadd.s32 s0, s3;
	s0 =	sld [smem:$0x3F97]  }
0x30: {  	s3 =	sld [smem:$0x3F9A]  }
0x31: {  	[smem:$0x3FA3] =	sst s10  }
0x32: {  	s10 =	sld [smem:$0x3FA1];
	_ =	sdelay $0x3  }
0x33: {  	p0 =	seq.s32 s10, $0x1;
	s10 =	sld [smem:$0x3FA3];
	_ =	sdelay $0x3  }
0x34: {  	[smem:$0x3FA3] =	sst s10  }
0x35: {  	s10 =	sld [smem:$0x3FA2];
	_ =	sdelay $0x3  }
0x36: {  	p1 =	seq.s32 s10, $0x1;
	s10 =	sld [smem:$0x3FA3];
	_ =	sdelay $0x3  }
0x37: {  	[smem:$0x3FA3] =	sst s10  }
0x38: {  	s10 =	sld [smem:$0x3FA4]  }
0x39: {  	_ = 	snop;
	(pc) =	sbr.ind lr, $3  }
0x3a: {  	_ = 	snop  }
0x3b: {  	_ = 	snop  }
0x3c: {  	p2 =	seq.s32 s10, $0x1;
	s10 =	sld [smem:$0x3FA3]  }
0x3d: {  	_ =	shalt  }
0x3e: {  	_ =	shalt  }
0x3f: {  	_ =	shalt  }
0x40: {  	_ =	shalt  }
0x41: {  	_ =	shalt  }
0x42: {  	_ =	shalt  }
0x43: {  	_ =	shalt  }
0x44: {  	_ =	shalt  }
0x45: {  	_ =	shalt  }
0x46: {  	_ =	shalt  }
0x47: {  	_ =	shalt  }
0x48: {  	_ =	shalt  }
0x49: {  	_ =	shalt  }
0x4a: {  	_ =	shalt  }
0x4b: {  	_ =	shalt  }
0x4c: {  	_ =	shalt  }
0x4d: {  	_ =	shalt  }
0x4e: {  	_ =	shalt  }
0x4f: {  	_ =	shalt  }
0x50: {  	_ =	shalt  }
0x51: {  	_ =	shalt  }
0x52: {  	_ =	shalt  }
0x53: {  	_ =	shalt  }
0x54: {  	_ =	shalt  }
0x55: {  	_ =	shalt  }
0x56: {  	_ =	shalt  }
0x57: {  	_ =	shalt  }
0x58: {  	_ =	shalt  }
0x59: {  	_ =	shalt  }
0x5a: {  	_ =	shalt  }
0x5b: {  	_ =	shalt  }
0x5c: {  	_ =	shalt  }
0x5d: {  	_ =	shalt  }
0x5e: {  	_ =	shalt  }
0x5f: {  	_ =	shalt  }
0x60: {  	_ =	shalt  }
0x61: {  	_ =	shalt  }
0x62: {  	_ =	shalt  }
0x63: {  	_ =	shalt  }
0x64: {  	_ =	shalt  }
0x65: {  	_ =	shalt  }
0x66: {  	_ =	shalt  }
0x67: {  	_ =	shalt  }
0x68: {  	_ =	shalt  }
0x69: {  	_ =	shalt  }
0x6a: {  	_ =	shalt  }
0x6b: {  	_ =	shalt  }
0x6c: {  	_ =	shalt  }
0x6d: {  	_ =	shalt  }
0x6e: {  	_ =	shalt  }
0x6f: {  	_ =	shalt  }
0x70: {  	_ =	shalt  }
0x71: {  	_ =	shalt  }
0x72: {  	_ =	shalt  }
0x73: {  	_ =	shalt  }
0x74: {  	_ =	shalt  }
0x75: {  	_ =	shalt  }
0x76: {  	_ =	shalt  }
0x77: {  	_ =	shalt  }
0x78: {  	_ =	shalt  }
0x79: {  	_ =	shalt  }
0x7a: {  	_ =	shalt  }
0x7b: {  	_ =	shalt  }
0x7c: {  	_ =	shalt  }
0x7d: {  	_ =	shalt  }
0x7e: {  	_ =	shalt  }
0x7f: {  	_ =	shalt  }
0x80: {  	_ =	shalt  }
0x81: {  	_ =	shalt  }
0x82: {  	_ =	shalt  }
0x83: {  	_ =	shalt  }
0x84: {  	_ =	shalt  }
0x85: {  	_ =	shalt  }
0x86: {  	_ =	shalt  }
0x87: {  	_ =	shalt  }
.Lfunc_end0:
.L_simem_size_0:
called_computation_lowered:
.L_overlay_start_0:
0x88: {  	s2 =	sld [smem:$0x3FD9]  }
0x89: {  	s3 =	sld [smem:$0x3FFE];
	_ =	sdelay $0x1  }
0x8a: {  	s1 =	srdreg.scid  }
0x8b: {  	s0 =	sand.u32 $0x1, s1  }
0x8c: {  	s28 =	sshll.u32 s0, $0xA;
	s2 =	sadd.s32 s3, s2  }
0x8d: {  	s2 =	sadd.s32 s2, s28  }
0x8e: {  	s4 =	simm.s32 $0x0;
	[smem:$0x3FAF] =	sst s2  }
0x8f: {  	[smem:$0xF] =	sst s4  }
0x90: {  	s8 =	sld [smem:$0x3FD0];
	(tm) =	ssettm $0x1  }
0x91: {  	s29 =	sld [smem:$0x3FFB];
	_ =	sdelay $0x3  }
0x92: {  	_ =	strace s29  }
0x93: {  	s2 =	sld [smem:$0x3FFC];
	_ =	sdelay $0x3  }
0x94: {  	_ =	strace s2  }
0x95: {  	s2 =	sld [smem:$0x3FFD];
	_ =	sdelay $0x3  }
0x96: {  	_ =	strace s2  }
0x97: {  	s30 =	simm.s32 $0x1B8B;
	_ =	strace $0x8FFFFFFF  }
0x98: {  	_ =	swait.ge [sflag:s30], $0x1  }
0x99: {  	p0 =	seq.s32 s0, $0x1;
	s3 =	sld [smem:$0x3FFE]  }
.Ltmp0:
0x9a: {  	[sflag:s30] =	ssyncset.done $0x0;
	(pc) =	sbr.rel @p0 .LBB1_8-.Ltmp0, $3  }
0x9b: {  	s31 =	simm.s32 $0x1B8E;
	[sflag:s30] =	ssyncadd.s32 $0xFFFFFFFF  }
0x9c: {  	[smem:$0x3FD2] =	sst s31  }
0x9d: {  	_ =	strace $0x80000046;
	s2 =	sadd.s32 $0x2C00, s3  }
0x9e: {  	s5 =	simm.s32 $0x9;
	s6 =	simm.s32 $0x10  }
0x9f: {  	[smem:s6], [sflag:s5] =	dma.local [hbm:s2], $0x80  }
0xa0: {  	_ =	swait.ge [sflag:s5], $0x80  }
0xa1: {  	[sflag:s5] =	ssyncset.done $0x0  }
0xa2: {  	[sflag:s5] =	ssyncadd.s32 $0xFFFFFF80  }
0xa3: {  	[smem:$0x410] =	sst s4  }
0xa4: {  	[smem:$0x411] =	sst s4  }
0xa5: {  	[smem:$0x412] =	sst s4  }
0xa6: {  	[smem:$0x413] =	sst s4  }
0xa7: {  	[smem:$0x414] =	sst s4  }
0xa8: {  	[smem:$0x415] =	sst s4  }
0xa9: {  	[smem:$0x416] =	sst s4  }
0xaa: {  	[smem:$0x417] =	sst s4  }
0xab: {  	[smem:$0x418] =	sst s4  }
0xac: {  	[smem:$0x419] =	sst s4  }
0xad: {  	[smem:$0x41A] =	sst s4  }
0xae: {  	[smem:$0x41B] =	sst s4  }
0xaf: {  	[smem:$0x41C] =	sst s4  }
0xb0: {  	[smem:$0x41D] =	sst s4  }
0xb1: {  	[smem:$0x41E] =	sst s4  }
0xb2: {  	[smem:$0x41F] =	sst s4  }
0xb3: {  	s24 =	sld [smem:$0x10];
	_ =	sdelay $0x3  }
0xb4: {  	s7 =	sld [smem:s24+$0x410];
	_ =	sdelay $0x3  }
0xb5: {  	s7 =	sadd.f32 $1.000000000e+00, s7  }
0xb6: {  	s6 =	sadd.s32 $0x410, s24  }
0xb7: {  	[smem:s6] =	sst s7  }
0xb8: {  	s6 =	sld [smem:$0x11];
	_ =	sdelay $0x3  }
0xb9: {  	s25 =	sld [smem:s6+$0x410];
	_ =	sdelay $0x3  }
0xba: {  	s7 =	sadd.f32 $1.000000000e+00, s25  }
0xbb: {  	s6 =	sadd.s32 $0x410, s6  }
0xbc: {  	[smem:s6] =	sst s7  }
0xbd: {  	s6 =	sld [smem:$0x12];
	_ =	sdelay $0x3  }
0xbe: {  	s26 =	sld [smem:s6+$0x410];
	_ =	sdelay $0x3  }
0xbf: {  	s7 =	sadd.f32 $1.000000000e+00, s26  }
0xc0: {  	s6 =	sadd.s32 $0x410, s6  }
0xc1: {  	[smem:s6] =	sst s7  }
0xc2: {  	s6 =	sld [smem:$0x13];
	_ =	sdelay $0x3  }
0xc3: {  	s28 =	sld [smem:s6+$0x410];
	_ =	sdelay $0x3  }
0xc4: {  	s7 =	sadd.f32 $1.000000000e+00, s28  }
0xc5: {  	s6 =	sadd.s32 $0x410, s6  }
0xc6: {  	[smem:s6] =	sst s7  }
0xc7: {  	s6 =	sld [smem:$0x14];
	_ =	sdelay $0x3  }
0xc8: {  	s29 =	sld [smem:s6+$0x410];
	_ =	sdelay $0x3  }
0xc9: {  	s7 =	sadd.f32 $1.000000000e+00, s29  }
0xca: {  	s6 =	sadd.s32 $0x410, s6  }
0xcb: {  	[smem:s6] =	sst s7  }
0xcc: {  	s6 =	sld [smem:$0x15];
	_ =	sdelay $0x3  }
0xcd: {  	s30 =	sld [smem:s6+$0x410];
	_ =	sdelay $0x3  }
0xce: {  	s7 =	sadd.f32 $1.000000000e+00, s30  }
0xcf: {  	s6 =	sadd.s32 $0x410, s6  }
0xd0: {  	[smem:s6] =	sst s7  }
0xd1: {  	s6 =	sld [smem:$0x16];
	_ =	sdelay $0x3  }
0xd2: {  	s31 =	sld [smem:s6+$0x410];
	_ =	sdelay $0x3  }
0xd3: {  	s7 =	sadd.f32 $1.000000000e+00, s31  }
0xd4: {  	s6 =	sadd.s32 $0x410, s6  }
0xd5: {  	[smem:s6] =	sst s7  }
0xd6: {  	s10 =	sld [smem:$0x17];
	_ =	sdelay $0x3  }
0xd7: {  	s11 =	sld [smem:s10+$0x410];
	_ =	sdelay $0x2  }
0xd8: {  	s9 =	simm.s32 $0x20;
	s13 =	simm.s32 $0x40;
	s7 =	sadd.s32 $0x3200, s3  }
0xd9: {  	s6 =	sadd.s32 $0x3400, s3;
	s14 =	sadd.s32 $0x410, s10;
	s12 =	sadd.f32 $1.000000000e+00, s11  }
.LBB1_2:
0xda: {  	s11 =	sshra.s32 s9, $0x2  }
0xdb: {  	[smem:s14] =	sst s12;
	s9 =	smov.u32 s13;
	s10 =	sadd.s32 $0x20, s13  }
0xdc: {  	p0 =	sne.s32 s13, $0xFE0;
	s12 =	sld [smem:s11+$0x10];
	_ =	sdelay $0x3  }
0xdd: {  	s13 =	sld [smem:s12+$0x410];
	_ =	sdelay $0x3  }
0xde: {  	s13 =	sadd.f32 $1.000000000e+00, s13  }
0xdf: {  	s12 =	sadd.s32 $0x410, s12  }
0xe0: {  	[smem:s12] =	sst s13  }
0xe1: {  	s12 =	sld [smem:s11+$0x11];
	_ =	sdelay $0x3  }
0xe2: {  	s13 =	sld [smem:s12+$0x410];
	_ =	sdelay $0x3  }
0xe3: {  	s13 =	sadd.f32 $1.000000000e+00, s13  }
0xe4: {  	s12 =	sadd.s32 $0x410, s12  }
0xe5: {  	[smem:s12] =	sst s13  }
0xe6: {  	s12 =	sld [smem:s11+$0x12];
	_ =	sdelay $0x3  }
0xe7: {  	s13 =	sld [smem:s12+$0x410];
	_ =	sdelay $0x3  }
0xe8: {  	s13 =	sadd.f32 $1.000000000e+00, s13  }
0xe9: {  	s12 =	sadd.s32 $0x410, s12  }
0xea: {  	[smem:s12] =	sst s13  }
0xeb: {  	s12 =	sld [smem:s11+$0x13];
	_ =	sdelay $0x3  }
0xec: {  	s13 =	sld [smem:s12+$0x410];
	_ =	sdelay $0x3  }
0xed: {  	s13 =	sadd.f32 $1.000000000e+00, s13  }
0xee: {  	s12 =	sadd.s32 $0x410, s12  }
0xef: {  	[smem:s12] =	sst s13  }
0xf0: {  	s12 =	sld [smem:s11+$0x14];
	_ =	sdelay $0x3  }
0xf1: {  	s13 =	sld [smem:s12+$0x410];
	_ =	sdelay $0x3  }
0xf2: {  	s13 =	sadd.f32 $1.000000000e+00, s13  }
0xf3: {  	s12 =	sadd.s32 $0x410, s12  }
0xf4: {  	[smem:s12] =	sst s13  }
0xf5: {  	s12 =	sld [smem:s11+$0x15];
	_ =	sdelay $0x3  }
0xf6: {  	s13 =	sld [smem:s12+$0x410];
	_ =	sdelay $0x3  }
0xf7: {  	s13 =	sadd.f32 $1.000000000e+00, s13  }
0xf8: {  	s12 =	sadd.s32 $0x410, s12  }
0xf9: {  	[smem:s12] =	sst s13  }
0xfa: {  	s12 =	sld [smem:s11+$0x16];
	_ =	sdelay $0x3  }
0xfb: {  	s13 =	sld [smem:s12+$0x410];
	_ =	sdelay $0x3  }
0xfc: {  	s13 =	sadd.f32 $1.000000000e+00, s13  }
0xfd: {  	s12 =	sadd.s32 $0x410, s12  }
0xfe: {  	[smem:s12] =	sst s13  }
0xff: {  	s11 =	sld [smem:s11+$0x17];
	_ =	sdelay $0x3  }
0x100: {  	s12 =	sld [smem:s11+$0x410];
	_ =	sdelay $0x1  }
.Ltmp1:
0x101: {  	(pc) =	sbr.rel @p0 .LBB1_2-.Ltmp1, $3  }
0x102: {  	_ = 	snop  }
0x103: {  	s12 =	sadd.f32 $1.000000000e+00, s12  }
0x104: {  	s13 =	smov.u32 s10;
	s14 =	sadd.s32 $0x410, s11  }
0x105: {  	s9 =	sshra.s32 s9, $0x2;
	[smem:s14] =	sst s12  }
0x106: {  	s10 =	sld [smem:s9+$0x10];
	_ =	sdelay $0x3  }
0x107: {  	s11 =	sld [smem:s10+$0x410];
	_ =	sdelay $0x3  }
0x108: {  	s11 =	sadd.f32 $1.000000000e+00, s11  }
0x109: {  	s10 =	sadd.s32 $0x410, s10  }
0x10a: {  	[smem:s10] =	sst s11  }
0x10b: {  	s10 =	sld [smem:s9+$0x11];
	_ =	sdelay $0x3  }
0x10c: {  	s11 =	sld [smem:s10+$0x410];
	_ =	sdelay $0x3  }
0x10d: {  	s11 =	sadd.f32 $1.000000000e+00, s11  }
0x10e: {  	s10 =	sadd.s32 $0x410, s10  }
0x10f: {  	[smem:s10] =	sst s11  }
0x110: {  	s10 =	sld [smem:s9+$0x12];
	_ =	sdelay $0x3  }
0x111: {  	s11 =	sld [smem:s10+$0x410];
	_ =	sdelay $0x3  }
0x112: {  	s11 =	sadd.f32 $1.000000000e+00, s11  }
0x113: {  	s10 =	sadd.s32 $0x410, s10  }
0x114: {  	[smem:s10] =	sst s11  }
0x115: {  	s10 =	sld [smem:s9+$0x13];
	_ =	sdelay $0x3  }
0x116: {  	s11 =	sld [smem:s10+$0x410];
	_ =	sdelay $0x3  }
0x117: {  	s11 =	sadd.f32 $1.000000000e+00, s11  }
0x118: {  	s10 =	sadd.s32 $0x410, s10  }
0x119: {  	[smem:s10] =	sst s11  }
0x11a: {  	s10 =	sld [smem:s9+$0x14];
	_ =	sdelay $0x3  }
0x11b: {  	s11 =	sld [smem:s10+$0x410];
	_ =	sdelay $0x3  }
0x11c: {  	s11 =	sadd.f32 $1.000000000e+00, s11  }
0x11d: {  	s10 =	sadd.s32 $0x410, s10  }
0x11e: {  	[smem:s10] =	sst s11  }
0x11f: {  	s10 =	sld [smem:s9+$0x15];
	_ =	sdelay $0x3  }
0x120: {  	s11 =	sld [smem:s10+$0x410];
	_ =	sdelay $0x3  }
0x121: {  	s11 =	sadd.f32 $1.000000000e+00, s11  }
0x122: {  	s10 =	sadd.s32 $0x410, s10  }
0x123: {  	[smem:s10] =	sst s11  }
0x124: {  	s10 =	sld [smem:s9+$0x16];
	_ =	sdelay $0x3  }
0x125: {  	s11 =	sld [smem:s10+$0x410];
	_ =	sdelay $0x3  }
0x126: {  	s11 =	sadd.f32 $1.000000000e+00, s11  }
0x127: {  	s10 =	sadd.s32 $0x410, s10  }
0x128: {  	[smem:s10] =	sst s11  }
0x129: {  	s9 =	sld [smem:s9+$0x17];
	_ =	sdelay $0x3  }
0x12a: {  	s10 =	sld [smem:s9+$0x410];
	_ =	sdelay $0x3  }
0x12b: {  	s10 =	sadd.f32 $1.000000000e+00, s10  }
0x12c: {  	s9 =	sadd.s32 $0x410, s9  }
0x12d: {  	s18 =	simm.s32 $0x410;
	s19 =	simm.s32 $0x9;
	[smem:s9] =	sst s10  }
0x12e: {  	[hbm:s8], [sflag:s5] =	dma.local [smem:s18], $0x10  }
0x12f: {  	_ =	swait.ge [sflag:s19], $0x10  }
0x130: {  	[sflag:s19] =	ssyncset.done $0x0  }
0x131: {  	[sflag:s19] =	ssyncadd.s32 $0xFFFFFFF0  }
0x132: {  	s20 =	sadd.s32 $0x100, s2;
	s21 =	simm.s32 $0x10  }
0x133: {  	[smem:s21], [sflag:s5] =	dma.local [hbm:s20], $0x80  }
0x134: {  	_ =	swait.ge [sflag:s19], $0x80  }
0x135: {  	[sflag:s19] =	ssyncset.done $0x0  }
0x136: {  	s22 =	simm.s32 $0x0;
	[sflag:s19] =	ssyncadd.s32 $0xFFFFFF80  }
0x137: {  	[smem:$0x410] =	sst s22  }
0x138: {  	[smem:$0x411] =	sst s22  }
0x139: {  	[smem:$0x412] =	sst s22  }
0x13a: {  	[smem:$0x413] =	sst s22  }
0x13b: {  	[smem:$0x414] =	sst s22  }
0x13c: {  	[smem:$0x415] =	sst s22  }
0x13d: {  	[smem:$0x416] =	sst s22  }
0x13e: {  	[smem:$0x417] =	sst s22  }
0x13f: {  	[smem:$0x418] =	sst s22  }
0x140: {  	[smem:$0x419] =	sst s22  }
0x141: {  	[smem:$0x41A] =	sst s22  }
0x142: {  	[smem:$0x41B] =	sst s22  }
0x143: {  	[smem:$0x41C] =	sst s22  }
0x144: {  	[smem:$0x41D] =	sst s22  }
0x145: {  	[smem:$0x41E] =	sst s22  }
0x146: {  	[smem:$0x41F] =	sst s22  }
0x147: {  	s8 =	sld [smem:$0x10];
	_ =	sdelay $0x3  }
0x148: {  	s23 =	sld [smem:s8+$0x410];
	_ =	sdelay $0x3  }
0x149: {  	s9 =	sadd.f32 $1.000000000e+00, s23  }
0x14a: {  	s8 =	sadd.s32 $0x410, s8  }
0x14b: {  	[smem:s8] =	sst s9  }
0x14c: {  	s8 =	sld [smem:$0x11];
	_ =	sdelay $0x3  }
0x14d: {  	s24 =	sld [smem:s8+$0x410];
	_ =	sdelay $0x3  }
0x14e: {  	s9 =	sadd.f32 $1.000000000e+00, s24  }
0x14f: {  	s8 =	sadd.s32 $0x410, s8  }
0x150: {  	[smem:s8] =	sst s9  }
0x151: {  	s8 =	sld [smem:$0x12];
	_ =	sdelay $0x3  }
0x152: {  	s25 =	sld [smem:s8+$0x410];
	_ =	sdelay $0x3  }
0x153: {  	s9 =	sadd.f32 $1.000000000e+00, s25  }
0x154: {  	s8 =	sadd.s32 $0x410, s8  }
0x155: {  	[smem:s8] =	sst s9  }
0x156: {  	s8 =	sld [smem:$0x13];
	_ =	sdelay $0x3  }
0x157: {  	s26 =	sld [smem:s8+$0x410];
	_ =	sdelay $0x3  }
0x158: {  	s9 =	sadd.f32 $1.000000000e+00, s26  }
0x159: {  	s8 =	sadd.s32 $0x410, s8  }
0x15a: {  	[smem:s8] =	sst s9  }
0x15b: {  	s8 =	sld [smem:$0x14];
	_ =	sdelay $0x3  }
0x15c: {  	s28 =	sld [smem:s8+$0x410];
	_ =	sdelay $0x3  }
0x15d: {  	s9 =	sadd.f32 $1.000000000e+00, s28  }
0x15e: {  	s8 =	sadd.s32 $0x410, s8  }
0x15f: {  	[smem:s8] =	sst s9  }
0x160: {  	s8 =	sld [smem:$0x15];
	_ =	sdelay $0x3  }
0x161: {  	s29 =	sld [smem:s8+$0x410];
	_ =	sdelay $0x3  }
0x162: {  	s9 =	sadd.f32 $1.000000000e+00, s29  }
0x163: {  	s8 =	sadd.s32 $0x410, s8  }
0x164: {  	[smem:s8] =	sst s9  }
0x165: {  	s8 =	sld [smem:$0x16];
	_ =	sdelay $0x3  }
0x166: {  	s30 =	sld [smem:s8+$0x410];
	_ =	sdelay $0x3  }
0x167: {  	s9 =	sadd.f32 $1.000000000e+00, s30  }
0x168: {  	s8 =	sadd.s32 $0x410, s8  }
0x169: {  	[smem:s8] =	sst s9  }
0x16a: {  	s9 =	sld [smem:$0x17];
	_ =	sdelay $0x3  }
0x16b: {  	s31 =	sld [smem:s9+$0x410];
	_ =	sdelay $0x2  }
0x16c: {  	s12 =	simm.s32 $0x40  }
0x16d: {  	s8 =	simm.s32 $0x20;
	s13 =	sadd.s32 $0x410, s9;
	s11 =	sadd.f32 $1.000000000e+00, s31  }
.LBB1_4:
0x16e: {  	s10 =	sshra.s32 s8, $0x2  }
0x16f: {  	[smem:s13] =	sst s11;
	s8 =	smov.u32 s12;
	s9 =	sadd.s32 $0x20, s12  }
0x170: {  	p0 =	sne.s32 s12, $0xFE0;
	s11 =	sld [smem:s10+$0x10];
	_ =	sdelay $0x3  }
0x171: {  	s12 =	sld [smem:s11+$0x410];
	_ =	sdelay $0x3  }
0x172: {  	s12 =	sadd.f32 $1.000000000e+00, s12  }
0x173: {  	s11 =	sadd.s32 $0x410, s11  }
0x174: {  	[smem:s11] =	sst s12  }
0x175: {  	s11 =	sld [smem:s10+$0x11];
	_ =	sdelay $0x3  }
0x176: {  	s12 =	sld [smem:s11+$0x410];
	_ =	sdelay $0x3  }
0x177: {  	s12 =	sadd.f32 $1.000000000e+00, s12  }
0x178: {  	s11 =	sadd.s32 $0x410, s11  }
0x179: {  	[smem:s11] =	sst s12  }
0x17a: {  	s11 =	sld [smem:s10+$0x12];
	_ =	sdelay $0x3  }
0x17b: {  	s12 =	sld [smem:s11+$0x410];
	_ =	sdelay $0x3  }
0x17c: {  	s12 =	sadd.f32 $1.000000000e+00, s12  }
0x17d: {  	s11 =	sadd.s32 $0x410, s11  }
0x17e: {  	[smem:s11] =	sst s12  }
0x17f: {  	s11 =	sld [smem:s10+$0x13];
	_ =	sdelay $0x3  }
0x180: {  	s12 =	sld [smem:s11+$0x410];
	_ =	sdelay $0x3  }
0x181: {  	s12 =	sadd.f32 $1.000000000e+00, s12  }
0x182: {  	s11 =	sadd.s32 $0x410, s11  }
0x183: {  	[smem:s11] =	sst s12  }
0x184: {  	s11 =	sld [smem:s10+$0x14];
	_ =	sdelay $0x3  }
0x185: {  	s12 =	sld [smem:s11+$0x410];
	_ =	sdelay $0x3  }
0x186: {  	s12 =	sadd.f32 $1.000000000e+00, s12  }
0x187: {  	s11 =	sadd.s32 $0x410, s11  }
0x188: {  	[smem:s11] =	sst s12  }
0x189: {  	s11 =	sld [smem:s10+$0x15];
	_ =	sdelay $0x3  }
0x18a: {  	s12 =	sld [smem:s11+$0x410];
	_ =	sdelay $0x3  }
0x18b: {  	s12 =	sadd.f32 $1.000000000e+00, s12  }
0x18c: {  	s11 =	sadd.s32 $0x410, s11  }
0x18d: {  	[smem:s11] =	sst s12  }
0x18e: {  	s11 =	sld [smem:s10+$0x16];
	_ =	sdelay $0x3  }
0x18f: {  	s12 =	sld [smem:s11+$0x410];
	_ =	sdelay $0x3  }
0x190: {  	s12 =	sadd.f32 $1.000000000e+00, s12  }
0x191: {  	s11 =	sadd.s32 $0x410, s11  }
0x192: {  	[smem:s11] =	sst s12  }
0x193: {  	s10 =	sld [smem:s10+$0x17];
	_ =	sdelay $0x3  }
0x194: {  	s11 =	sld [smem:s10+$0x410];
	_ =	sdelay $0x1  }
.Ltmp2:
0x195: {  	(pc) =	sbr.rel @p0 .LBB1_4-.Ltmp2, $3  }
0x196: {  	_ = 	snop  }
0x197: {  	s11 =	sadd.f32 $1.000000000e+00, s11  }
0x198: {  	s12 =	smov.u32 s9;
	s13 =	sadd.s32 $0x410, s10  }
0x199: {  	s8 =	sshra.s32 s8, $0x2;
	[smem:s13] =	sst s11  }
0x19a: {  	s9 =	sld [smem:s8+$0x10];
	_ =	sdelay $0x3  }
0x19b: {  	s10 =	sld [smem:s9+$0x410];
	_ =	sdelay $0x3  }
0x19c: {  	s10 =	sadd.f32 $1.000000000e+00, s10  }
0x19d: {  	s9 =	sadd.s32 $0x410, s9  }
0x19e: {  	[smem:s9] =	sst s10  }
0x19f: {  	s9 =	sld [smem:s8+$0x11];
	_ =	sdelay $0x3  }
0x1a0: {  	s10 =	sld [smem:s9+$0x410];
	_ =	sdelay $0x3  }
0x1a1: {  	s10 =	sadd.f32 $1.000000000e+00, s10  }
0x1a2: {  	s9 =	sadd.s32 $0x410, s9  }
0x1a3: {  	[smem:s9] =	sst s10  }
0x1a4: {  	s9 =	sld [smem:s8+$0x12];
	_ =	sdelay $0x3  }
0x1a5: {  	s10 =	sld [smem:s9+$0x410];
	_ =	sdelay $0x3  }
0x1a6: {  	s10 =	sadd.f32 $1.000000000e+00, s10  }
0x1a7: {  	s9 =	sadd.s32 $0x410, s9  }
0x1a8: {  	[smem:s9] =	sst s10  }
0x1a9: {  	s9 =	sld [smem:s8+$0x13];
	_ =	sdelay $0x3  }
0x1aa: {  	s10 =	sld [smem:s9+$0x410];
	_ =	sdelay $0x3  }
0x1ab: {  	s10 =	sadd.f32 $1.000000000e+00, s10  }
0x1ac: {  	s9 =	sadd.s32 $0x410, s9  }
0x1ad: {  	[smem:s9] =	sst s10  }
0x1ae: {  	s9 =	sld [smem:s8+$0x14];
	_ =	sdelay $0x3  }
0x1af: {  	s10 =	sld [smem:s9+$0x410];
	_ =	sdelay $0x3  }
0x1b0: {  	s10 =	sadd.f32 $1.000000000e+00, s10  }
0x1b1: {  	s9 =	sadd.s32 $0x410, s9  }
0x1b2: {  	[smem:s9] =	sst s10  }
0x1b3: {  	s9 =	sld [smem:s8+$0x15];
	_ =	sdelay $0x3  }
0x1b4: {  	s10 =	sld [smem:s9+$0x410];
	_ =	sdelay $0x3  }
0x1b5: {  	s10 =	sadd.f32 $1.000000000e+00, s10  }
0x1b6: {  	s9 =	sadd.s32 $0x410, s9  }
0x1b7: {  	[smem:s9] =	sst s10  }
0x1b8: {  	s9 =	sld [smem:s8+$0x16];
	_ =	sdelay $0x3  }
0x1b9: {  	s10 =	sld [smem:s9+$0x410];
	_ =	sdelay $0x3  }
0x1ba: {  	s10 =	sadd.f32 $1.000000000e+00, s10  }
0x1bb: {  	s9 =	sadd.s32 $0x410, s9  }
0x1bc: {  	[smem:s9] =	sst s10  }
0x1bd: {  	s8 =	sld [smem:s8+$0x17];
	_ =	sdelay $0x3  }
0x1be: {  	s9 =	sld [smem:s8+$0x410];
	_ =	sdelay $0x3  }
0x1bf: {  	s9 =	sadd.f32 $1.000000000e+00, s9  }
0x1c0: {  	s8 =	sadd.s32 $0x410, s8  }
0x1c1: {  	s18 =	simm.s32 $0x410;
	s19 =	simm.s32 $0x9;
	[smem:s8] =	sst s9  }
0x1c2: {  	[hbm:s7], [sflag:s5] =	dma.local [smem:s18], $0x10  }
0x1c3: {  	_ =	swait.ge [sflag:s19], $0x10  }
0x1c4: {  	[sflag:s19] =	ssyncset.done $0x0  }
0x1c5: {  	[sflag:s19] =	ssyncadd.s32 $0xFFFFFFF0  }
0x1c6: {  	s20 =	sadd.s32 $0x200, s2;
	s21 =	simm.s32 $0x10  }
0x1c7: {  	[smem:s21], [sflag:s5] =	dma.local [hbm:s20], $0x80  }
0x1c8: {  	_ =	swait.ge [sflag:s19], $0x80  }
0x1c9: {  	[sflag:s19] =	ssyncset.done $0x0  }
0x1ca: {  	s22 =	simm.s32 $0x0;
	[sflag:s19] =	ssyncadd.s32 $0xFFFFFF80  }
0x1cb: {  	[smem:$0x410] =	sst s22  }
0x1cc: {  	[smem:$0x411] =	sst s22  }
0x1cd: {  	[smem:$0x412] =	sst s22  }
0x1ce: {  	[smem:$0x413] =	sst s22  }
0x1cf: {  	[smem:$0x414] =	sst s22  }
0x1d0: {  	[smem:$0x415] =	sst s22  }
0x1d1: {  	[smem:$0x416] =	sst s22  }
0x1d2: {  	[smem:$0x417] =	sst s22  }
0x1d3: {  	[smem:$0x418] =	sst s22  }
0x1d4: {  	[smem:$0x419] =	sst s22  }
0x1d5: {  	[smem:$0x41A] =	sst s22  }
0x1d6: {  	[smem:$0x41B] =	sst s22  }
0x1d7: {  	[smem:$0x41C] =	sst s22  }
0x1d8: {  	[smem:$0x41D] =	sst s22  }
0x1d9: {  	[smem:$0x41E] =	sst s22  }
0x1da: {  	[smem:$0x41F] =	sst s22  }
0x1db: {  	s7 =	sld [smem:$0x10];
	_ =	sdelay $0x3  }
0x1dc: {  	s23 =	sld [smem:s7+$0x410];
	_ =	sdelay $0x3  }
0x1dd: {  	s8 =	sadd.f32 $1.000000000e+00, s23  }
0x1de: {  	s7 =	sadd.s32 $0x410, s7  }
0x1df: {  	[smem:s7] =	sst s8  }
0x1e0: {  	s7 =	sld [smem:$0x11];
	_ =	sdelay $0x3  }
0x1e1: {  	s24 =	sld [smem:s7+$0x410];
	_ =	sdelay $0x3  }
0x1e2: {  	s8 =	sadd.f32 $1.000000000e+00, s24  }
0x1e3: {  	s7 =	sadd.s32 $0x410, s7  }
0x1e4: {  	[smem:s7] =	sst s8  }
0x1e5: {  	s7 =	sld [smem:$0x12];
	_ =	sdelay $0x3  }
0x1e6: {  	s25 =	sld [smem:s7+$0x410];
	_ =	sdelay $0x3  }
0x1e7: {  	s8 =	sadd.f32 $1.000000000e+00, s25  }
0x1e8: {  	s7 =	sadd.s32 $0x410, s7  }
0x1e9: {  	[smem:s7] =	sst s8  }
0x1ea: {  	s7 =	sld [smem:$0x13];
	_ =	sdelay $0x3  }
0x1eb: {  	s26 =	sld [smem:s7+$0x410];
	_ =	sdelay $0x3  }
0x1ec: {  	s8 =	sadd.f32 $1.000000000e+00, s26  }
0x1ed: {  	s7 =	sadd.s32 $0x410, s7  }
0x1ee: {  	[smem:s7] =	sst s8  }
0x1ef: {  	s7 =	sld [smem:$0x14];
	_ =	sdelay $0x3  }
0x1f0: {  	s28 =	sld [smem:s7+$0x410];
	_ =	sdelay $0x3  }
0x1f1: {  	s8 =	sadd.f32 $1.000000000e+00, s28  }
0x1f2: {  	s7 =	sadd.s32 $0x410, s7  }
0x1f3: {  	[smem:s7] =	sst s8  }
0x1f4: {  	s7 =	sld [smem:$0x15];
	_ =	sdelay $0x3  }
0x1f5: {  	s29 =	sld [smem:s7+$0x410];
	_ =	sdelay $0x3  }
0x1f6: {  	s8 =	sadd.f32 $1.000000000e+00, s29  }
0x1f7: {  	s7 =	sadd.s32 $0x410, s7  }
0x1f8: {  	[smem:s7] =	sst s8  }
0x1f9: {  	s7 =	sld [smem:$0x16];
	_ =	sdelay $0x3  }
0x1fa: {  	s30 =	sld [smem:s7+$0x410];
	_ =	sdelay $0x3  }
0x1fb: {  	s8 =	sadd.f32 $1.000000000e+00, s30  }
0x1fc: {  	s7 =	sadd.s32 $0x410, s7  }
0x1fd: {  	[smem:s7] =	sst s8  }
0x1fe: {  	s8 =	sld [smem:$0x17];
	_ =	sdelay $0x3  }
0x1ff: {  	s31 =	sld [smem:s8+$0x410];
	_ =	sdelay $0x2  }
0x200: {  	s11 =	simm.s32 $0x40  }
0x201: {  	s7 =	simm.s32 $0x20;
	s12 =	sadd.s32 $0x410, s8;
	s10 =	sadd.f32 $1.000000000e+00, s31  }
.LBB1_6:
0x202: {  	s9 =	sshra.s32 s7, $0x2  }
0x203: {  	[smem:s12] =	sst s10;
	s7 =	smov.u32 s11;
	s8 =	sadd.s32 $0x20, s11  }
0x204: {  	p0 =	sne.s32 s11, $0xFE0;
	s10 =	sld [smem:s9+$0x10];
	_ =	sdelay $0x3  }
0x205: {  	s11 =	sld [smem:s10+$0x410];
	_ =	sdelay $0x3  }
0x206: {  	s11 =	sadd.f32 $1.000000000e+00, s11  }
0x207: {  	s10 =	sadd.s32 $0x410, s10  }
0x208: {  	[smem:s10] =	sst s11  }
0x209: {  	s10 =	sld [smem:s9+$0x11];
	_ =	sdelay $0x3  }
0x20a: {  	s11 =	sld [smem:s10+$0x410];
	_ =	sdelay $0x3  }
0x20b: {  	s11 =	sadd.f32 $1.000000000e+00, s11  }
0x20c: {  	s10 =	sadd.s32 $0x410, s10  }
0x20d: {  	[smem:s10] =	sst s11  }
0x20e: {  	s10 =	sld [smem:s9+$0x12];
	_ =	sdelay $0x3  }
0x20f: {  	s11 =	sld [smem:s10+$0x410];
	_ =	sdelay $0x3  }
0x210: {  	s11 =	sadd.f32 $1.000000000e+00, s11  }
0x211: {  	s10 =	sadd.s32 $0x410, s10  }
0x212: {  	[smem:s10] =	sst s11  }
0x213: {  	s10 =	sld [smem:s9+$0x13];
	_ =	sdelay $0x3  }
0x214: {  	s11 =	sld [smem:s10+$0x410];
	_ =	sdelay $0x3  }
0x215: {  	s11 =	sadd.f32 $1.000000000e+00, s11  }
0x216: {  	s10 =	sadd.s32 $0x410, s10  }
0x217: {  	[smem:s10] =	sst s11  }
0x218: {  	s10 =	sld [smem:s9+$0x14];
	_ =	sdelay $0x3  }
0x219: {  	s11 =	sld [smem:s10+$0x410];
	_ =	sdelay $0x3  }
0x21a: {  	s11 =	sadd.f32 $1.000000000e+00, s11  }
0x21b: {  	s10 =	sadd.s32 $0x410, s10  }
0x21c: {  	[smem:s10] =	sst s11  }
0x21d: {  	s10 =	sld [smem:s9+$0x15];
	_ =	sdelay $0x3  }
0x21e: {  	s11 =	sld [smem:s10+$0x410];
	_ =	sdelay $0x3  }
0x21f: {  	s11 =	sadd.f32 $1.000000000e+00, s11  }
0x220: {  	s10 =	sadd.s32 $0x410, s10  }
0x221: {  	[smem:s10] =	sst s11  }
0x222: {  	s10 =	sld [smem:s9+$0x16];
	_ =	sdelay $0x3  }
0x223: {  	s11 =	sld [smem:s10+$0x410];
	_ =	sdelay $0x3  }
0x224: {  	s11 =	sadd.f32 $1.000000000e+00, s11  }
0x225: {  	s10 =	sadd.s32 $0x410, s10  }
0x226: {  	[smem:s10] =	sst s11  }
0x227: {  	s9 =	sld [smem:s9+$0x17];
	_ =	sdelay $0x3  }
0x228: {  	s10 =	sld [smem:s9+$0x410];
	_ =	sdelay $0x1  }
.Ltmp3:
0x229: {  	(pc) =	sbr.rel @p0 .LBB1_6-.Ltmp3, $3  }
0x22a: {  	_ = 	snop  }
0x22b: {  	s10 =	sadd.f32 $1.000000000e+00, s10  }
0x22c: {  	s11 =	smov.u32 s8;
	s12 =	sadd.s32 $0x410, s9  }
0x22d: {  	s7 =	sshra.s32 s7, $0x2;
	[smem:s12] =	sst s10  }
0x22e: {  	s8 =	sld [smem:s7+$0x10];
	_ =	sdelay $0x3  }
0x22f: {  	s9 =	sld [smem:s8+$0x410];
	_ =	sdelay $0x3  }
0x230: {  	s9 =	sadd.f32 $1.000000000e+00, s9  }
0x231: {  	s8 =	sadd.s32 $0x410, s8  }
0x232: {  	[smem:s8] =	sst s9  }
0x233: {  	s8 =	sld [smem:s7+$0x11];
	_ =	sdelay $0x3  }
0x234: {  	s9 =	sld [smem:s8+$0x410];
	_ =	sdelay $0x3  }
0x235: {  	s9 =	sadd.f32 $1.000000000e+00, s9  }
0x236: {  	s8 =	sadd.s32 $0x410, s8  }
0x237: {  	[smem:s8] =	sst s9  }
0x238: {  	s8 =	sld [smem:s7+$0x12];
	_ =	sdelay $0x3  }
0x239: {  	s9 =	sld [smem:s8+$0x410];
	_ =	sdelay $0x3  }
0x23a: {  	s9 =	sadd.f32 $1.000000000e+00, s9  }
0x23b: {  	s8 =	sadd.s32 $0x410, s8  }
0x23c: {  	[smem:s8] =	sst s9  }
0x23d: {  	s8 =	sld [smem:s7+$0x13];
	_ =	sdelay $0x3  }
0x23e: {  	s9 =	sld [smem:s8+$0x410];
	_ =	sdelay $0x3  }
0x23f: {  	s9 =	sadd.f32 $1.000000000e+00, s9  }
0x240: {  	s8 =	sadd.s32 $0x410, s8  }
0x241: {  	[smem:s8] =	sst s9  }
0x242: {  	s8 =	sld [smem:s7+$0x14];
	_ =	sdelay $0x3  }
0x243: {  	s9 =	sld [smem:s8+$0x410];
	_ =	sdelay $0x3  }
0x244: {  	s9 =	sadd.f32 $1.000000000e+00, s9  }
0x245: {  	s8 =	sadd.s32 $0x410, s8  }
0x246: {  	[smem:s8] =	sst s9  }
0x247: {  	s8 =	sld [smem:s7+$0x15];
	_ =	sdelay $0x3  }
0x248: {  	s9 =	sld [smem:s8+$0x410];
	_ =	sdelay $0x3  }
0x249: {  	s9 =	sadd.f32 $1.000000000e+00, s9  }
0x24a: {  	s8 =	sadd.s32 $0x410, s8  }
0x24b: {  	[smem:s8] =	sst s9  }
0x24c: {  	s8 =	sld [smem:s7+$0x16];
	_ =	sdelay $0x3  }
0x24d: {  	s9 =	sld [smem:s8+$0x410];
	_ =	sdelay $0x3  }
0x24e: {  	s9 =	sadd.f32 $1.000000000e+00, s9  }
0x24f: {  	s8 =	sadd.s32 $0x410, s8  }
0x250: {  	[smem:s8] =	sst s9  }
0x251: {  	s7 =	sld [smem:s7+$0x17];
	_ =	sdelay $0x3  }
0x252: {  	s8 =	sld [smem:s7+$0x410];
	_ =	sdelay $0x3  }
0x253: {  	s8 =	sadd.f32 $1.000000000e+00, s8  }
0x254: {  	s7 =	sadd.s32 $0x410, s7  }
0x255: {  	s30 =	simm.s32 $0x410;
	p0 =	seq.s32 s0, $0x0;
	[smem:s7] =	sst s8  }
0x256: {  	[hbm:s6], [sflag:s5] =	dma.local [smem:s30], $0x10  }
.Ltmp4:
0x257: {  	s31 =	simm.s32 $0x9;
	(pc) =	sbr.rel @p0 .LBB1_15-.Ltmp4, $3  }
0x258: {  	_ =	swait.ge [sflag:s31], $0x10  }
0x259: {  	[sflag:s31] =	ssyncset.done $0x0  }
0x25a: {  	[sflag:s31] =	ssyncadd.s32 $0xFFFFFFF0  }
.LBB1_8:
0x25b: {  	s6 =	sadd.s32 $0x80, s2;
	s5 =	simm.s32 $0x9;
	s7 =	simm.s32 $0x10  }
0x25c: {  	[smem:s7], [sflag:s5] =	dma.local [hbm:s6], $0x80  }
0x25d: {  	_ =	swait.ge [sflag:s5], $0x80  }
0x25e: {  	[sflag:s5] =	ssyncset.done $0x0  }
0x25f: {  	[sflag:s5] =	ssyncadd.s32 $0xFFFFFF80  }
0x260: {  	[smem:$0x410] =	sst s4  }
0x261: {  	[smem:$0x411] =	sst s4  }
0x262: {  	[smem:$0x412] =	sst s4  }
0x263: {  	[smem:$0x413] =	sst s4  }
0x264: {  	[smem:$0x414] =	sst s4  }
0x265: {  	[smem:$0x415] =	sst s4  }
0x266: {  	[smem:$0x416] =	sst s4  }
0x267: {  	[smem:$0x417] =	sst s4  }
0x268: {  	[smem:$0x418] =	sst s4  }
0x269: {  	[smem:$0x419] =	sst s4  }
0x26a: {  	[smem:$0x41A] =	sst s4  }
0x26b: {  	[smem:$0x41B] =	sst s4  }
0x26c: {  	[smem:$0x41C] =	sst s4  }
0x26d: {  	[smem:$0x41D] =	sst s4  }
0x26e: {  	[smem:$0x41E] =	sst s4  }
0x26f: {  	[smem:$0x41F] =	sst s4  }
0x270: {  	s4 =	sld [smem:$0x10];
	_ =	sdelay $0x3  }
0x271: {  	s24 =	sld [smem:s4+$0x410];
	_ =	sdelay $0x3  }
0x272: {  	s6 =	sadd.f32 $1.000000000e+00, s24  }
0x273: {  	s4 =	sadd.s32 $0x410, s4  }
0x274: {  	[smem:s4] =	sst s6  }
0x275: {  	s4 =	sld [smem:$0x11];
	_ =	sdelay $0x3  }
0x276: {  	s25 =	sld [smem:s4+$0x410];
	_ =	sdelay $0x3  }
0x277: {  	s6 =	sadd.f32 $1.000000000e+00, s25  }
0x278: {  	s4 =	sadd.s32 $0x410, s4  }
0x279: {  	[smem:s4] =	sst s6  }
0x27a: {  	s4 =	sld [smem:$0x12];
	_ =	sdelay $0x3  }
0x27b: {  	s26 =	sld [smem:s4+$0x410];
	_ =	sdelay $0x3  }
0x27c: {  	s6 =	sadd.f32 $1.000000000e+00, s26  }
0x27d: {  	s4 =	sadd.s32 $0x410, s4  }
0x27e: {  	[smem:s4] =	sst s6  }
0x27f: {  	s4 =	sld [smem:$0x13];
	_ =	sdelay $0x3  }
0x280: {  	s28 =	sld [smem:s4+$0x410];
	_ =	sdelay $0x3  }
0x281: {  	s6 =	sadd.f32 $1.000000000e+00, s28  }
0x282: {  	s4 =	sadd.s32 $0x410, s4  }
0x283: {  	[smem:s4] =	sst s6  }
0x284: {  	s4 =	sld [smem:$0x14];
	_ =	sdelay $0x3  }
0x285: {  	s29 =	sld [smem:s4+$0x410];
	_ =	sdelay $0x3  }
0x286: {  	s6 =	sadd.f32 $1.000000000e+00, s29  }
0x287: {  	s4 =	sadd.s32 $0x410, s4  }
0x288: {  	[smem:s4] =	sst s6  }
0x289: {  	s4 =	sld [smem:$0x15];
	_ =	sdelay $0x3  }
0x28a: {  	s30 =	sld [smem:s4+$0x410];
	_ =	sdelay $0x3  }
0x28b: {  	s6 =	sadd.f32 $1.000000000e+00, s30  }
0x28c: {  	s4 =	sadd.s32 $0x410, s4  }
0x28d: {  	[smem:s4] =	sst s6  }
0x28e: {  	s4 =	sld [smem:$0x16];
	_ =	sdelay $0x3  }
0x28f: {  	s31 =	sld [smem:s4+$0x410];
	_ =	sdelay $0x3  }
0x290: {  	s6 =	sadd.f32 $1.000000000e+00, s31  }
0x291: {  	s4 =	sadd.s32 $0x410, s4  }
0x292: {  	[smem:s4] =	sst s6  }
0x293: {  	s8 =	sld [smem:$0x17];
	_ =	sdelay $0x3  }
0x294: {  	s9 =	sld [smem:s8+$0x410];
	_ =	sdelay $0x1  }
0x295: {  	s11 =	simm.s32 $0x40  }
0x296: {  	s7 =	simm.s32 $0x20;
	s6 =	sadd.s32 $0x3000, s3;
	s4 =	sadd.s32 $0x3600, s3  }
0x297: {  	s3 =	sadd.s32 $0x3800, s3;
	s12 =	sadd.s32 $0x410, s8;
	s10 =	sadd.f32 $1.000000000e+00, s9  }
.LBB1_9:
0x298: {  	s9 =	sshra.s32 s7, $0x2  }
0x299: {  	[smem:s12] =	sst s10;
	s7 =	smov.u32 s11;
	s8 =	sadd.s32 $0x20, s11  }
0x29a: {  	p0 =	sne.s32 s11, $0xFE0;
	s10 =	sld [smem:s9+$0x10];
	_ =	sdelay $0x3  }
0x29b: {  	s11 =	sld [smem:s10+$0x410];
	_ =	sdelay $0x3  }
0x29c: {  	s11 =	sadd.f32 $1.000000000e+00, s11  }
0x29d: {  	s10 =	sadd.s32 $0x410, s10  }
0x29e: {  	[smem:s10] =	sst s11  }
0x29f: {  	s10 =	sld [smem:s9+$0x11];
	_ =	sdelay $0x3  }
0x2a0: {  	s11 =	sld [smem:s10+$0x410];
	_ =	sdelay $0x3  }
0x2a1: {  	s11 =	sadd.f32 $1.000000000e+00, s11  }
0x2a2: {  	s10 =	sadd.s32 $0x410, s10  }
0x2a3: {  	[smem:s10] =	sst s11  }
0x2a4: {  	s10 =	sld [smem:s9+$0x12];
	_ =	sdelay $0x3  }
0x2a5: {  	s11 =	sld [smem:s10+$0x410];
	_ =	sdelay $0x3  }
0x2a6: {  	s11 =	sadd.f32 $1.000000000e+00, s11  }
0x2a7: {  	s10 =	sadd.s32 $0x410, s10  }
0x2a8: {  	[smem:s10] =	sst s11  }
0x2a9: {  	s10 =	sld [smem:s9+$0x13];
	_ =	sdelay $0x3  }
0x2aa: {  	s11 =	sld [smem:s10+$0x410];
	_ =	sdelay $0x3  }
0x2ab: {  	s11 =	sadd.f32 $1.000000000e+00, s11  }
0x2ac: {  	s10 =	sadd.s32 $0x410, s10  }
0x2ad: {  	[smem:s10] =	sst s11  }
0x2ae: {  	s10 =	sld [smem:s9+$0x14];
	_ =	sdelay $0x3  }
0x2af: {  	s11 =	sld [smem:s10+$0x410];
	_ =	sdelay $0x3  }
0x2b0: {  	s11 =	sadd.f32 $1.000000000e+00, s11  }
0x2b1: {  	s10 =	sadd.s32 $0x410, s10  }
0x2b2: {  	[smem:s10] =	sst s11  }
0x2b3: {  	s10 =	sld [smem:s9+$0x15];
	_ =	sdelay $0x3  }
0x2b4: {  	s11 =	sld [smem:s10+$0x410];
	_ =	sdelay $0x3  }
0x2b5: {  	s11 =	sadd.f32 $1.000000000e+00, s11  }
0x2b6: {  	s10 =	sadd.s32 $0x410, s10  }
0x2b7: {  	[smem:s10] =	sst s11  }
0x2b8: {  	s10 =	sld [smem:s9+$0x16];
	_ =	sdelay $0x3  }
0x2b9: {  	s11 =	sld [smem:s10+$0x410];
	_ =	sdelay $0x3  }
0x2ba: {  	s11 =	sadd.f32 $1.000000000e+00, s11  }
0x2bb: {  	s10 =	sadd.s32 $0x410, s10  }
0x2bc: {  	[smem:s10] =	sst s11  }
0x2bd: {  	s9 =	sld [smem:s9+$0x17];
	_ =	sdelay $0x3  }
0x2be: {  	s10 =	sld [smem:s9+$0x410];
	_ =	sdelay $0x1  }
.Ltmp5:
0x2bf: {  	(pc) =	sbr.rel @p0 .LBB1_9-.Ltmp5, $3  }
0x2c0: {  	_ = 	snop  }
0x2c1: {  	s10 =	sadd.f32 $1.000000000e+00, s10  }
0x2c2: {  	s11 =	smov.u32 s8;
	s12 =	sadd.s32 $0x410, s9  }
0x2c3: {  	s7 =	sshra.s32 s7, $0x2;
	[smem:s12] =	sst s10  }
0x2c4: {  	s8 =	sld [smem:s7+$0x10];
	_ =	sdelay $0x3  }
0x2c5: {  	s9 =	sld [smem:s8+$0x410];
	_ =	sdelay $0x3  }
0x2c6: {  	s9 =	sadd.f32 $1.000000000e+00, s9  }
0x2c7: {  	s8 =	sadd.s32 $0x410, s8  }
0x2c8: {  	[smem:s8] =	sst s9  }
0x2c9: {  	s8 =	sld [smem:s7+$0x11];
	_ =	sdelay $0x3  }
0x2ca: {  	s9 =	sld [smem:s8+$0x410];
	_ =	sdelay $0x3  }
0x2cb: {  	s9 =	sadd.f32 $1.000000000e+00, s9  }
0x2cc: {  	s8 =	sadd.s32 $0x410, s8  }
0x2cd: {  	[smem:s8] =	sst s9  }
0x2ce: {  	s8 =	sld [smem:s7+$0x12];
	_ =	sdelay $0x3  }
0x2cf: {  	s9 =	sld [smem:s8+$0x410];
	_ =	sdelay $0x3  }
0x2d0: {  	s9 =	sadd.f32 $1.000000000e+00, s9  }
0x2d1: {  	s8 =	sadd.s32 $0x410, s8  }
0x2d2: {  	[smem:s8] =	sst s9  }
0x2d3: {  	s8 =	sld [smem:s7+$0x13];
	_ =	sdelay $0x3  }
0x2d4: {  	s9 =	sld [smem:s8+$0x410];
	_ =	sdelay $0x3  }
0x2d5: {  	s9 =	sadd.f32 $1.000000000e+00, s9  }
0x2d6: {  	s8 =	sadd.s32 $0x410, s8  }
0x2d7: {  	[smem:s8] =	sst s9  }
0x2d8: {  	s8 =	sld [smem:s7+$0x14];
	_ =	sdelay $0x3  }
0x2d9: {  	s9 =	sld [smem:s8+$0x410];
	_ =	sdelay $0x3  }
0x2da: {  	s9 =	sadd.f32 $1.000000000e+00, s9  }
0x2db: {  	s8 =	sadd.s32 $0x410, s8  }
0x2dc: {  	[smem:s8] =	sst s9  }
0x2dd: {  	s8 =	sld [smem:s7+$0x15];
	_ =	sdelay $0x3  }
0x2de: {  	s9 =	sld [smem:s8+$0x410];
	_ =	sdelay $0x3  }
0x2df: {  	s9 =	sadd.f32 $1.000000000e+00, s9  }
0x2e0: {  	s8 =	sadd.s32 $0x410, s8  }
0x2e1: {  	[smem:s8] =	sst s9  }
0x2e2: {  	s8 =	sld [smem:s7+$0x16];
	_ =	sdelay $0x3  }
0x2e3: {  	s9 =	sld [smem:s8+$0x410];
	_ =	sdelay $0x3  }
0x2e4: {  	s9 =	sadd.f32 $1.000000000e+00, s9  }
0x2e5: {  	s8 =	sadd.s32 $0x410, s8  }
0x2e6: {  	[smem:s8] =	sst s9  }
0x2e7: {  	s7 =	sld [smem:s7+$0x17];
	_ =	sdelay $0x3  }
0x2e8: {  	s8 =	sld [smem:s7+$0x410];
	_ =	sdelay $0x3  }
0x2e9: {  	s8 =	sadd.f32 $1.000000000e+00, s8  }
0x2ea: {  	s7 =	sadd.s32 $0x410, s7  }
0x2eb: {  	s18 =	simm.s32 $0x410;
	s19 =	simm.s32 $0x9;
	[smem:s7] =	sst s8  }
0x2ec: {  	[hbm:s6], [sflag:s5] =	dma.local [smem:s18], $0x10  }
0x2ed: {  	_ =	swait.ge [sflag:s19], $0x10  }
0x2ee: {  	[sflag:s19] =	ssyncset.done $0x0  }
0x2ef: {  	[sflag:s19] =	ssyncadd.s32 $0xFFFFFFF0  }
0x2f0: {  	s20 =	sadd.s32 $0x180, s2;
	s21 =	simm.s32 $0x10  }
0x2f1: {  	[smem:s21], [sflag:s5] =	dma.local [hbm:s20], $0x80  }
0x2f2: {  	_ =	swait.ge [sflag:s19], $0x80  }
0x2f3: {  	[sflag:s19] =	ssyncset.done $0x0  }
0x2f4: {  	s22 =	simm.s32 $0x0;
	[sflag:s19] =	ssyncadd.s32 $0xFFFFFF80  }
0x2f5: {  	[smem:$0x410] =	sst s22  }
0x2f6: {  	[smem:$0x411] =	sst s22  }
0x2f7: {  	[smem:$0x412] =	sst s22  }
0x2f8: {  	[smem:$0x413] =	sst s22  }
0x2f9: {  	[smem:$0x414] =	sst s22  }
0x2fa: {  	[smem:$0x415] =	sst s22  }
0x2fb: {  	[smem:$0x416] =	sst s22  }
0x2fc: {  	[smem:$0x417] =	sst s22  }
0x2fd: {  	[smem:$0x418] =	sst s22  }
0x2fe: {  	[smem:$0x419] =	sst s22  }
0x2ff: {  	[smem:$0x41A] =	sst s22  }
0x300: {  	[smem:$0x41B] =	sst s22  }
0x301: {  	[smem:$0x41C] =	sst s22  }
0x302: {  	[smem:$0x41D] =	sst s22  }
0x303: {  	[smem:$0x41E] =	sst s22  }
0x304: {  	[smem:$0x41F] =	sst s22  }
0x305: {  	s6 =	sld [smem:$0x10];
	_ =	sdelay $0x3  }
0x306: {  	s23 =	sld [smem:s6+$0x410];
	_ =	sdelay $0x3  }
0x307: {  	s7 =	sadd.f32 $1.000000000e+00, s23  }
0x308: {  	s6 =	sadd.s32 $0x410, s6  }
0x309: {  	[smem:s6] =	sst s7  }
0x30a: {  	s6 =	sld [smem:$0x11];
	_ =	sdelay $0x3  }
0x30b: {  	s24 =	sld [smem:s6+$0x410];
	_ =	sdelay $0x3  }
0x30c: {  	s7 =	sadd.f32 $1.000000000e+00, s24  }
0x30d: {  	s6 =	sadd.s32 $0x410, s6  }
0x30e: {  	[smem:s6] =	sst s7  }
0x30f: {  	s6 =	sld [smem:$0x12];
	_ =	sdelay $0x3  }
0x310: {  	s25 =	sld [smem:s6+$0x410];
	_ =	sdelay $0x3  }
0x311: {  	s7 =	sadd.f32 $1.000000000e+00, s25  }
0x312: {  	s6 =	sadd.s32 $0x410, s6  }
0x313: {  	[smem:s6] =	sst s7  }
0x314: {  	s6 =	sld [smem:$0x13];
	_ =	sdelay $0x3  }
0x315: {  	s26 =	sld [smem:s6+$0x410];
	_ =	sdelay $0x3  }
0x316: {  	s7 =	sadd.f32 $1.000000000e+00, s26  }
0x317: {  	s6 =	sadd.s32 $0x410, s6  }
0x318: {  	[smem:s6] =	sst s7  }
0x319: {  	s6 =	sld [smem:$0x14];
	_ =	sdelay $0x3  }
0x31a: {  	s28 =	sld [smem:s6+$0x410];
	_ =	sdelay $0x3  }
0x31b: {  	s7 =	sadd.f32 $1.000000000e+00, s28  }
0x31c: {  	s6 =	sadd.s32 $0x410, s6  }
0x31d: {  	[smem:s6] =	sst s7  }
0x31e: {  	s6 =	sld [smem:$0x15];
	_ =	sdelay $0x3  }
0x31f: {  	s29 =	sld [smem:s6+$0x410];
	_ =	sdelay $0x3  }
0x320: {  	s7 =	sadd.f32 $1.000000000e+00, s29  }
0x321: {  	s6 =	sadd.s32 $0x410, s6  }
0x322: {  	[smem:s6] =	sst s7  }
0x323: {  	s6 =	sld [smem:$0x16];
	_ =	sdelay $0x3  }
0x324: {  	s30 =	sld [smem:s6+$0x410];
	_ =	sdelay $0x3  }
0x325: {  	s7 =	sadd.f32 $1.000000000e+00, s30  }
0x326: {  	s6 =	sadd.s32 $0x410, s6  }
0x327: {  	[smem:s6] =	sst s7  }
0x328: {  	s7 =	sld [smem:$0x17];
	_ =	sdelay $0x3  }
0x329: {  	s31 =	sld [smem:s7+$0x410];
	_ =	sdelay $0x2  }
0x32a: {  	s10 =	simm.s32 $0x40  }
0x32b: {  	s6 =	simm.s32 $0x20;
	s11 =	sadd.s32 $0x410, s7;
	s9 =	sadd.f32 $1.000000000e+00, s31  }
.LBB1_11:
0x32c: {  	s8 =	sshra.s32 s6, $0x2  }
0x32d: {  	[smem:s11] =	sst s9;
	s6 =	smov.u32 s10;
	s7 =	sadd.s32 $0x20, s10  }
0x32e: {  	p0 =	sne.s32 s10, $0xFE0;
	s9 =	sld [smem:s8+$0x10];
	_ =	sdelay $0x3  }
0x32f: {  	s10 =	sld [smem:s9+$0x410];
	_ =	sdelay $0x3  }
0x330: {  	s10 =	sadd.f32 $1.000000000e+00, s10  }
0x331: {  	s9 =	sadd.s32 $0x410, s9  }
0x332: {  	[smem:s9] =	sst s10  }
0x333: {  	s9 =	sld [smem:s8+$0x11];
	_ =	sdelay $0x3  }
0x334: {  	s10 =	sld [smem:s9+$0x410];
	_ =	sdelay $0x3  }
0x335: {  	s10 =	sadd.f32 $1.000000000e+00, s10  }
0x336: {  	s9 =	sadd.s32 $0x410, s9  }
0x337: {  	[smem:s9] =	sst s10  }
0x338: {  	s9 =	sld [smem:s8+$0x12];
	_ =	sdelay $0x3  }
0x339: {  	s10 =	sld [smem:s9+$0x410];
	_ =	sdelay $0x3  }
0x33a: {  	s10 =	sadd.f32 $1.000000000e+00, s10  }
0x33b: {  	s9 =	sadd.s32 $0x410, s9  }
0x33c: {  	[smem:s9] =	sst s10  }
0x33d: {  	s9 =	sld [smem:s8+$0x13];
	_ =	sdelay $0x3  }
0x33e: {  	s10 =	sld [smem:s9+$0x410];
	_ =	sdelay $0x3  }
0x33f: {  	s10 =	sadd.f32 $1.000000000e+00, s10  }
0x340: {  	s9 =	sadd.s32 $0x410, s9  }
0x341: {  	[smem:s9] =	sst s10  }
0x342: {  	s9 =	sld [smem:s8+$0x14];
	_ =	sdelay $0x3  }
0x343: {  	s10 =	sld [smem:s9+$0x410];
	_ =	sdelay $0x3  }
0x344: {  	s10 =	sadd.f32 $1.000000000e+00, s10  }
0x345: {  	s9 =	sadd.s32 $0x410, s9  }
0x346: {  	[smem:s9] =	sst s10  }
0x347: {  	s9 =	sld [smem:s8+$0x15];
	_ =	sdelay $0x3  }
0x348: {  	s10 =	sld [smem:s9+$0x410];
	_ =	sdelay $0x3  }
0x349: {  	s10 =	sadd.f32 $1.000000000e+00, s10  }
0x34a: {  	s9 =	sadd.s32 $0x410, s9  }
0x34b: {  	[smem:s9] =	sst s10  }
0x34c: {  	s9 =	sld [smem:s8+$0x16];
	_ =	sdelay $0x3  }
0x34d: {  	s10 =	sld [smem:s9+$0x410];
	_ =	sdelay $0x3  }
0x34e: {  	s10 =	sadd.f32 $1.000000000e+00, s10  }
0x34f: {  	s9 =	sadd.s32 $0x410, s9  }
0x350: {  	[smem:s9] =	sst s10  }
0x351: {  	s8 =	sld [smem:s8+$0x17];
	_ =	sdelay $0x3  }
0x352: {  	s9 =	sld [smem:s8+$0x410];
	_ =	sdelay $0x1  }
.Ltmp6:
0x353: {  	(pc) =	sbr.rel @p0 .LBB1_11-.Ltmp6, $3  }
0x354: {  	_ = 	snop  }
0x355: {  	s9 =	sadd.f32 $1.000000000e+00, s9  }
0x356: {  	s10 =	smov.u32 s7;
	s11 =	sadd.s32 $0x410, s8  }
0x357: {  	s6 =	sshra.s32 s6, $0x2;
	[smem:s11] =	sst s9  }
0x358: {  	s7 =	sld [smem:s6+$0x10];
	_ =	sdelay $0x3  }
0x359: {  	s8 =	sld [smem:s7+$0x410];
	_ =	sdelay $0x3  }
0x35a: {  	s8 =	sadd.f32 $1.000000000e+00, s8  }
0x35b: {  	s7 =	sadd.s32 $0x410, s7  }
0x35c: {  	[smem:s7] =	sst s8  }
0x35d: {  	s7 =	sld [smem:s6+$0x11];
	_ =	sdelay $0x3  }
0x35e: {  	s8 =	sld [smem:s7+$0x410];
	_ =	sdelay $0x3  }
0x35f: {  	s8 =	sadd.f32 $1.000000000e+00, s8  }
0x360: {  	s7 =	sadd.s32 $0x410, s7  }
0x361: {  	[smem:s7] =	sst s8  }
0x362: {  	s7 =	sld [smem:s6+$0x12];
	_ =	sdelay $0x3  }
0x363: {  	s8 =	sld [smem:s7+$0x410];
	_ =	sdelay $0x3  }
0x364: {  	s8 =	sadd.f32 $1.000000000e+00, s8  }
0x365: {  	s7 =	sadd.s32 $0x410, s7  }
0x366: {  	[smem:s7] =	sst s8  }
0x367: {  	s7 =	sld [smem:s6+$0x13];
	_ =	sdelay $0x3  }
0x368: {  	s8 =	sld [smem:s7+$0x410];
	_ =	sdelay $0x3  }
0x369: {  	s8 =	sadd.f32 $1.000000000e+00, s8  }
0x36a: {  	s7 =	sadd.s32 $0x410, s7  }
0x36b: {  	[smem:s7] =	sst s8  }
0x36c: {  	s7 =	sld [smem:s6+$0x14];
	_ =	sdelay $0x3  }
0x36d: {  	s8 =	sld [smem:s7+$0x410];
	_ =	sdelay $0x3  }
0x36e: {  	s8 =	sadd.f32 $1.000000000e+00, s8  }
0x36f: {  	s7 =	sadd.s32 $0x410, s7  }
0x370: {  	[smem:s7] =	sst s8  }
0x371: {  	s7 =	sld [smem:s6+$0x15];
	_ =	sdelay $0x3  }
0x372: {  	s8 =	sld [smem:s7+$0x410];
	_ =	sdelay $0x3  }
0x373: {  	s8 =	sadd.f32 $1.000000000e+00, s8  }
0x374: {  	s7 =	sadd.s32 $0x410, s7  }
0x375: {  	[smem:s7] =	sst s8  }
0x376: {  	s7 =	sld [smem:s6+$0x16];
	_ =	sdelay $0x3  }
0x377: {  	s8 =	sld [smem:s7+$0x410];
	_ =	sdelay $0x3  }
0x378: {  	s8 =	sadd.f32 $1.000000000e+00, s8  }
0x379: {  	s7 =	sadd.s32 $0x410, s7  }
0x37a: {  	[smem:s7] =	sst s8  }
0x37b: {  	s6 =	sld [smem:s6+$0x17];
	_ =	sdelay $0x3  }
0x37c: {  	s7 =	sld [smem:s6+$0x410];
	_ =	sdelay $0x3  }
0x37d: {  	s7 =	sadd.f32 $1.000000000e+00, s7  }
0x37e: {  	s6 =	sadd.s32 $0x410, s6  }
0x37f: {  	s19 =	simm.s32 $0x410;
	s20 =	simm.s32 $0x9;
	[smem:s6] =	sst s7  }
0x380: {  	[hbm:s4], [sflag:s5] =	dma.local [smem:s19], $0x10  }
0x381: {  	_ =	swait.ge [sflag:s20], $0x10  }
0x382: {  	[sflag:s20] =	ssyncset.done $0x0  }
0x383: {  	[sflag:s20] =	ssyncadd.s32 $0xFFFFFFF0  }
0x384: {  	s2 =	sadd.s32 $0x280, s2;
	s21 =	simm.s32 $0x10  }
0x385: {  	[smem:s21], [sflag:s5] =	dma.local [hbm:s2], $0x80  }
0x386: {  	_ =	swait.ge [sflag:s20], $0x80  }
0x387: {  	[sflag:s20] =	ssyncset.done $0x0  }
0x388: {  	s22 =	simm.s32 $0x0;
	[sflag:s20] =	ssyncadd.s32 $0xFFFFFF80  }
0x389: {  	[smem:$0x410] =	sst s22  }
0x38a: {  	[smem:$0x411] =	sst s22  }
0x38b: {  	[smem:$0x412] =	sst s22  }
0x38c: {  	[smem:$0x413] =	sst s22  }
0x38d: {  	[smem:$0x414] =	sst s22  }
0x38e: {  	[smem:$0x415] =	sst s22  }
0x38f: {  	[smem:$0x416] =	sst s22  }
0x390: {  	[smem:$0x417] =	sst s22  }
0x391: {  	[smem:$0x418] =	sst s22  }
0x392: {  	[smem:$0x419] =	sst s22  }
0x393: {  	[smem:$0x41A] =	sst s22  }
0x394: {  	[smem:$0x41B] =	sst s22  }
0x395: {  	[smem:$0x41C] =	sst s22  }
0x396: {  	[smem:$0x41D] =	sst s22  }
0x397: {  	[smem:$0x41E] =	sst s22  }
0x398: {  	[smem:$0x41F] =	sst s22  }
0x399: {  	s2 =	sld [smem:$0x10];
	_ =	sdelay $0x3  }
0x39a: {  	s23 =	sld [smem:s2+$0x410];
	_ =	sdelay $0x3  }
0x39b: {  	s4 =	sadd.f32 $1.000000000e+00, s23  }
0x39c: {  	s2 =	sadd.s32 $0x410, s2  }
0x39d: {  	[smem:s2] =	sst s4  }
0x39e: {  	s2 =	sld [smem:$0x11];
	_ =	sdelay $0x3  }
0x39f: {  	s24 =	sld [smem:s2+$0x410];
	_ =	sdelay $0x3  }
0x3a0: {  	s4 =	sadd.f32 $1.000000000e+00, s24  }
0x3a1: {  	s2 =	sadd.s32 $0x410, s2  }
0x3a2: {  	[smem:s2] =	sst s4  }
0x3a3: {  	s2 =	sld [smem:$0x12];
	_ =	sdelay $0x3  }
0x3a4: {  	s25 =	sld [smem:s2+$0x410];
	_ =	sdelay $0x3  }
0x3a5: {  	s4 =	sadd.f32 $1.000000000e+00, s25  }
0x3a6: {  	s2 =	sadd.s32 $0x410, s2  }
0x3a7: {  	[smem:s2] =	sst s4  }
0x3a8: {  	s2 =	sld [smem:$0x13];
	_ =	sdelay $0x3  }
0x3a9: {  	s26 =	sld [smem:s2+$0x410];
	_ =	sdelay $0x3  }
0x3aa: {  	s4 =	sadd.f32 $1.000000000e+00, s26  }
0x3ab: {  	s2 =	sadd.s32 $0x410, s2  }
0x3ac: {  	[smem:s2] =	sst s4  }
0x3ad: {  	s2 =	sld [smem:$0x14];
	_ =	sdelay $0x3  }
0x3ae: {  	s28 =	sld [smem:s2+$0x410];
	_ =	sdelay $0x3  }
0x3af: {  	s4 =	sadd.f32 $1.000000000e+00, s28  }
0x3b0: {  	s2 =	sadd.s32 $0x410, s2  }
0x3b1: {  	[smem:s2] =	sst s4  }
0x3b2: {  	s2 =	sld [smem:$0x15];
	_ =	sdelay $0x3  }
0x3b3: {  	s29 =	sld [smem:s2+$0x410];
	_ =	sdelay $0x3  }
0x3b4: {  	s4 =	sadd.f32 $1.000000000e+00, s29  }
0x3b5: {  	s2 =	sadd.s32 $0x410, s2  }
0x3b6: {  	[smem:s2] =	sst s4  }
0x3b7: {  	s2 =	sld [smem:$0x16];
	_ =	sdelay $0x3  }
0x3b8: {  	s30 =	sld [smem:s2+$0x410];
	_ =	sdelay $0x3  }
0x3b9: {  	s4 =	sadd.f32 $1.000000000e+00, s30  }
0x3ba: {  	s2 =	sadd.s32 $0x410, s2  }
0x3bb: {  	[smem:s2] =	sst s4  }
0x3bc: {  	s4 =	sld [smem:$0x17];
	_ =	sdelay $0x3  }
0x3bd: {  	s31 =	sld [smem:s4+$0x410];
	_ =	sdelay $0x2  }
0x3be: {  	s8 =	simm.s32 $0x40  }
0x3bf: {  	s2 =	simm.s32 $0x20;
	s9 =	sadd.s32 $0x410, s4;
	s7 =	sadd.f32 $1.000000000e+00, s31  }
.LBB1_13:
0x3c0: {  	s6 =	sshra.s32 s2, $0x2  }
0x3c1: {  	[smem:s9] =	sst s7;
	s2 =	smov.u32 s8;
	s4 =	sadd.s32 $0x20, s8  }
0x3c2: {  	p0 =	sne.s32 s8, $0xFE0;
	s7 =	sld [smem:s6+$0x10];
	_ =	sdelay $0x3  }
0x3c3: {  	s8 =	sld [smem:s7+$0x410];
	_ =	sdelay $0x3  }
0x3c4: {  	s8 =	sadd.f32 $1.000000000e+00, s8  }
0x3c5: {  	s7 =	sadd.s32 $0x410, s7  }
0x3c6: {  	[smem:s7] =	sst s8  }
0x3c7: {  	s7 =	sld [smem:s6+$0x11];
	_ =	sdelay $0x3  }
0x3c8: {  	s8 =	sld [smem:s7+$0x410];
	_ =	sdelay $0x3  }
0x3c9: {  	s8 =	sadd.f32 $1.000000000e+00, s8  }
0x3ca: {  	s7 =	sadd.s32 $0x410, s7  }
0x3cb: {  	[smem:s7] =	sst s8  }
0x3cc: {  	s7 =	sld [smem:s6+$0x12];
	_ =	sdelay $0x3  }
0x3cd: {  	s8 =	sld [smem:s7+$0x410];
	_ =	sdelay $0x3  }
0x3ce: {  	s8 =	sadd.f32 $1.000000000e+00, s8  }
0x3cf: {  	s7 =	sadd.s32 $0x410, s7  }
0x3d0: {  	[smem:s7] =	sst s8  }
0x3d1: {  	s7 =	sld [smem:s6+$0x13];
	_ =	sdelay $0x3  }
0x3d2: {  	s8 =	sld [smem:s7+$0x410];
	_ =	sdelay $0x3  }
0x3d3: {  	s8 =	sadd.f32 $1.000000000e+00, s8  }
0x3d4: {  	s7 =	sadd.s32 $0x410, s7  }
0x3d5: {  	[smem:s7] =	sst s8  }
0x3d6: {  	s7 =	sld [smem:s6+$0x14];
	_ =	sdelay $0x3  }
0x3d7: {  	s8 =	sld [smem:s7+$0x410];
	_ =	sdelay $0x3  }
0x3d8: {  	s8 =	sadd.f32 $1.000000000e+00, s8  }
0x3d9: {  	s7 =	sadd.s32 $0x410, s7  }
0x3da: {  	[smem:s7] =	sst s8  }
0x3db: {  	s7 =	sld [smem:s6+$0x15];
	_ =	sdelay $0x3  }
0x3dc: {  	s8 =	sld [smem:s7+$0x410];
	_ =	sdelay $0x3  }
0x3dd: {  	s8 =	sadd.f32 $1.000000000e+00, s8  }
0x3de: {  	s7 =	sadd.s32 $0x410, s7  }
0x3df: {  	[smem:s7] =	sst s8  }
0x3e0: {  	s7 =	sld [smem:s6+$0x16];
	_ =	sdelay $0x3  }
0x3e1: {  	s8 =	sld [smem:s7+$0x410];
	_ =	sdelay $0x3  }
0x3e2: {  	s8 =	sadd.f32 $1.000000000e+00, s8  }
0x3e3: {  	s7 =	sadd.s32 $0x410, s7  }
0x3e4: {  	[smem:s7] =	sst s8  }
0x3e5: {  	s6 =	sld [smem:s6+$0x17];
	_ =	sdelay $0x3  }
0x3e6: {  	s7 =	sld [smem:s6+$0x410];
	_ =	sdelay $0x1  }
.Ltmp7:
0x3e7: {  	(pc) =	sbr.rel @p0 .LBB1_13-.Ltmp7, $3  }
0x3e8: {  	_ = 	snop  }
0x3e9: {  	s7 =	sadd.f32 $1.000000000e+00, s7  }
0x3ea: {  	s8 =	smov.u32 s4;
	s9 =	sadd.s32 $0x410, s6  }
0x3eb: {  	s2 =	sshra.s32 s2, $0x2;
	[smem:s9] =	sst s7  }
0x3ec: {  	s4 =	sld [smem:s2+$0x10];
	_ =	sdelay $0x3  }
0x3ed: {  	s6 =	sld [smem:s4+$0x410];
	_ =	sdelay $0x3  }
0x3ee: {  	s6 =	sadd.f32 $1.000000000e+00, s6  }
0x3ef: {  	s4 =	sadd.s32 $0x410, s4  }
0x3f0: {  	[smem:s4] =	sst s6  }
0x3f1: {  	s4 =	sld [smem:s2+$0x11];
	_ =	sdelay $0x3  }
0x3f2: {  	s6 =	sld [smem:s4+$0x410];
	_ =	sdelay $0x3  }
0x3f3: {  	s6 =	sadd.f32 $1.000000000e+00, s6  }
0x3f4: {  	s4 =	sadd.s32 $0x410, s4  }
0x3f5: {  	[smem:s4] =	sst s6  }
0x3f6: {  	s4 =	sld [smem:s2+$0x12];
	_ =	sdelay $0x3  }
0x3f7: {  	s6 =	sld [smem:s4+$0x410];
	_ =	sdelay $0x3  }
0x3f8: {  	s6 =	sadd.f32 $1.000000000e+00, s6  }
0x3f9: {  	s4 =	sadd.s32 $0x410, s4  }
0x3fa: {  	[smem:s4] =	sst s6  }
0x3fb: {  	s4 =	sld [smem:s2+$0x13];
	_ =	sdelay $0x3  }
0x3fc: {  	s6 =	sld [smem:s4+$0x410];
	_ =	sdelay $0x3  }
0x3fd: {  	s6 =	sadd.f32 $1.000000000e+00, s6  }
0x3fe: {  	s4 =	sadd.s32 $0x410, s4  }
0x3ff: {  	[smem:s4] =	sst s6  }
0x400: {  	s4 =	sld [smem:s2+$0x14];
	_ =	sdelay $0x3  }
0x401: {  	s6 =	sld [smem:s4+$0x410];
	_ =	sdelay $0x3  }
0x402: {  	s6 =	sadd.f32 $1.000000000e+00, s6  }
0x403: {  	s4 =	sadd.s32 $0x410, s4  }
0x404: {  	[smem:s4] =	sst s6  }
0x405: {  	s4 =	sld [smem:s2+$0x15];
	_ =	sdelay $0x3  }
0x406: {  	s6 =	sld [smem:s4+$0x410];
	_ =	sdelay $0x3  }
0x407: {  	s6 =	sadd.f32 $1.000000000e+00, s6  }
0x408: {  	s4 =	sadd.s32 $0x410, s4  }
0x409: {  	[smem:s4] =	sst s6  }
0x40a: {  	s4 =	sld [smem:s2+$0x16];
	_ =	sdelay $0x3  }
0x40b: {  	s6 =	sld [smem:s4+$0x410];
	_ =	sdelay $0x3  }
0x40c: {  	s6 =	sadd.f32 $1.000000000e+00, s6  }
0x40d: {  	s4 =	sadd.s32 $0x410, s4  }
0x40e: {  	[smem:s4] =	sst s6  }
0x40f: {  	s2 =	sld [smem:s2+$0x17];
	_ =	sdelay $0x3  }
0x410: {  	s4 =	sld [smem:s2+$0x410];
	_ =	sdelay $0x3  }
0x411: {  	s4 =	sadd.f32 $1.000000000e+00, s4  }
0x412: {  	s2 =	sadd.s32 $0x410, s2  }
0x413: {  	s30 =	simm.s32 $0x410;
	s31 =	simm.s32 $0x9;
	[smem:s2] =	sst s4  }
0x414: {  	[hbm:s3], [sflag:s5] =	dma.local [smem:s30], $0x10  }
0x415: {  	_ =	swait.ge [sflag:s31], $0x10  }
0x416: {  	[sflag:s31] =	ssyncset.done $0x0  }
0x417: {  	[sflag:s31] =	ssyncadd.s32 $0xFFFFFFF0  }
.LBB1_15:
0x418: {  	_ =	strace $0x90000046  }
0x419: {  	_ =	sfence  }
0x41a: {  	s2 =	sld [smem:$0x0];
	_ =	sdelay $0x2  }
0x41b: {  	s3 =	sshll.u32 s1, $0xD;
	s31 =	sshrl.u32 s1, $0x2  }
0x41c: {  	s3 =	sand.u32 $0x4000, s3;
	s1 =	sadd.s32 s31, s2  }
0x41d: {  	s0 =	sor.u32 s3, s0;
	s1 =	sshll.u32 s1, $0x11  }
0x41e: {  	s0 =	sor.u32 s1, s0  }
0x41f: {  	s0 =	sadd.s32 $0x8F2B, s0;
	(pc) =	sbr.abs _section_cstart, $3  }
0x420: {  	[sflag:s0] =	ssyncadd.remote.s32 $0x1  }
0x421: {  	_ =	strace $0x9FFFFFFF  }
0x422: {  	(tm) =	ssettm $0x7FFFFFFF  }
0x423: {  	_ =	shalt  }

</sc_bundles>
